<compile_context>
chip_gen: v7x
topology: tpu7x:2x2x1
jax: 0.10.2.dev20260603
libtpu: 0.0.44.dev20260713+nightly
codegen_flags: <defaults>
</compile_context>

<pallas_src>
import functools

import jax
import jax.numpy as jnp
from jax import lax
from jax.experimental import pallas as pl
from jax.experimental.pallas import tpu as pltpu
from jax.experimental.pallas import tpu_sc as plsc

VOCAB_ROWS = 100002
DIM = 64
B = 16384
L = 50

NUM_CORES = 2
NUM_SUBCORES = 16
NW = NUM_CORES * NUM_SUBCORES
WIN = B // NW
CBLK = 256
NH = WIN // CBLK
NCHUNK = L * NH
NGRP = CBLK // 16


def _make_kernel():
  mesh = plsc.VectorSubcoreMesh(core_axis_name="c", subcore_axis_name="s")

  @functools.partial(
      pl.kernel,
      mesh=mesh,
      compiler_params=pltpu.CompilerParams(use_tc_tiling_on_sc=False,
                                           needs_layout_passes=False),
      out_type=jax.ShapeDtypeStruct((L, DIM // 8, B // 128, 8, 128),
                                    jnp.float32),
      scratch_types=[
          pltpu.VMEM((L, WIN), jnp.int32),
          pltpu.VMEM((CBLK, DIM), jnp.float32),
          pltpu.VMEM((CBLK, DIM), jnp.float32),
          pltpu.VMEM((DIM // 8, CBLK // 128, 8, 128), jnp.float32),
          pltpu.VMEM((DIM // 8, CBLK // 128, 8, 128), jnp.float32),
          pltpu.SemaphoreType.DMA,
          pltpu.SemaphoreType.DMA,
          pltpu.SemaphoreType.DMA,
          pltpu.SemaphoreType.DMA,
          pltpu.SemaphoreType.DMA,
      ],
  )
  def gather_kernel(idxt_hbm, table_hbm, out_hbm, idx_v, g0, g1, t0, t1,
                    isem, gsem0, gsem1, wsem0, wsem1):
    wid = lax.axis_index("s") * NUM_CORES + lax.axis_index("c")
    b0 = wid * WIN
    lane = lax.iota(jnp.int32, 16)
    rvec = [lane + 16 * k for k in range(NGRP)]

    pltpu.async_copy(idxt_hbm.at[:, pl.ds(b0, WIN)], idx_v, isem)
    pltpu.make_async_copy(idxt_hbm.at[:, pl.ds(b0, WIN)], idx_v, isem).wait()

    def start_gather(c, g, sem):
      pltpu.async_copy(
          table_hbm.at[idx_v.at[c // 2, pl.ds((c % 2) * CBLK, CBLK)]], g, sem)

    def wait_gather(c, g, sem):
      pltpu.make_async_copy(
          table_hbm.at[idx_v.at[c // 2, pl.ds((c % 2) * CBLK, CBLK)]], g,
          sem).wait()

    def retile(g, t):
      @plsc.parallel_loop(0, DIM, unroll=4)
      def body(d):
        dt = d >> 3
        ds = d & 7
        col = jnp.full((16,), d, jnp.int32)
        for k in range(NGRP):
          vals = plsc.load_gather(g, [rvec[k], col])
          t[dt, k >> 3, ds, pl.ds((k & 7) * 16, 16)] = vals

    def tile_col(c):
      return wid * (2 * NH) + (c % 2) * 2

    def start_write(c, t, sem):
      pltpu.async_copy(t, out_hbm.at[c // 2, :, pl.ds(tile_col(c), 2)], sem)

    def wait_write(c, t, sem):
      pltpu.make_async_copy(
          t, out_hbm.at[c // 2, :, pl.ds(tile_col(c), 2)], sem).wait()

    start_gather(0, g0, gsem0)
    start_gather(1, g1, gsem1)

    npair = NCHUNK // 2

    def body(i, carry):
      def half(c, g, t, gsem, wsem):
        wait_gather(c, g, gsem)

        @pl.when(i > 0)
        def _():
          wait_write(c - 2, t, wsem)

        retile(g, t)

        @pl.when(i < npair - 1)
        def _():
          start_gather(c + 2, g, gsem)

        start_write(c, t, wsem)

      half(2 * i, g0, t0, gsem0, wsem0)
      half(2 * i + 1, g1, t1, gsem1, wsem1)
      return carry

    lax.fori_loop(0, npair, body, 0)

    wait_write(NCHUNK - 2, t0, wsem0)
    wait_write(NCHUNK - 1, t1, wsem1)

  return gather_kernel


_gather = _make_kernel()


@jax.jit
def kernel(idx_input, table):
  idx_t = idx_input.T.astype(jnp.int32)
  out5 = _gather(idx_t, table)
  return out5.transpose(2, 4, 0, 1, 3).reshape(B, L, DIM)

# --- scband reference (transcript-rebuilt; emitter-appended) ---
"""Pipeline reference for scband-embedding-word-26336739459393 (READ-ONLY COPY).

The authoritative reference and input builder live on the scoring server;
editing this copy changes nothing except your own understanding.
"""

import jax, jax.numpy as jnp
import numpy as np

VOCAB = 100000
DIM = 64
B = 16384
L = 50


def setup_inputs(seed: int = 0) -> dict:
    key = jax.random.key(seed)
    k1, k2 = jax.random.split(key)
    # Full embedding table: vocab rows (pretrained weights) + 1 unk row + 1 zero blank row.
    base = jax.random.normal(k1, (VOCAB, DIM), dtype=jnp.float32)
    unk = jax.random.normal(jax.random.fold_in(key, 7), (1, DIM), dtype=jnp.float32)
    blk = jnp.zeros((1, DIM), dtype=jnp.float32)
    table = jnp.concatenate([base, unk, blk], axis=0)  # [VOCAB+2, DIM]
    idx_input = jax.random.randint(k2, (B, L), 0, VOCAB + 2, dtype=jnp.int64 if jax.config.jax_enable_x64 else jnp.int32)
    return {"idx_input": idx_input, "table": table}


def reference(idx_input, table):
    # nn.Embedding lookup -> row gather from the table.
    return jnp.take(table, idx_input, axis=0)  # [B, L, DIM]

if __name__ == "__main__":
    import jax
    _d = setup_inputs()
    print(jax.jit(kernel)(*tuple(_d.values())))

</pallas_src>

<mosaic_0001>
#map = affine_map<(d0, d1) -> (0, 0)>
#map1 = affine_map<(d0, d1) -> (0, 0, 0, 0, 0)>
module attributes {stable_mosaic.version = 14 : i64} {
  func.func @gather_kernel(%arg0: i32, %arg1: i32, %arg2: memref<50x16384xi32, #tpu.memory_space<hbm>>, %arg3: memref<100002x64xf32, #tpu.memory_space<hbm>>, %arg4: memref<50x8x128x8x128xf32, #tpu.memory_space<hbm>>, %arg5: memref<50x512xi32, #tpu.memory_space<vmem>>, %arg6: memref<256x64xf32, #tpu.memory_space<vmem>>, %arg7: memref<256x64xf32, #tpu.memory_space<vmem>>, %arg8: memref<8x2x8x128xf32, #tpu.memory_space<vmem>>, %arg9: memref<8x2x8x128xf32, #tpu.memory_space<vmem>>, %arg10: memref<!tpu.dma_semaphore, #tpu.memory_space<semaphore_mem>>, %arg11: memref<!tpu.dma_semaphore, #tpu.memory_space<semaphore_mem>>, %arg12: memref<!tpu.dma_semaphore, #tpu.memory_space<semaphore_mem>>, %arg13: memref<!tpu.dma_semaphore, #tpu.memory_space<semaphore_mem>>, %arg14: memref<!tpu.dma_semaphore, #tpu.memory_space<semaphore_mem>>) attributes {dimension_semantics = [#tpu.dimension_semantics<core_parallel>, #tpu.dimension_semantics<subcore_parallel>], iteration_bounds = array<i64: 2, 16>, scalar_prefetch = 0 : i64, scratch_operands = 10 : i64, tpu.core_type = #tpu.core_type<sc_vector_subcore>, window_params = [{transform_indices = #map}, {transform_indices = #map}, {transform_indices = #map1}]} {
    %mul3A = arith.constant 2 : i32
    %mul3A_0 = arith.muli %arg1, %mul3A : i32
    %add3A = arith.addi %mul3A_0, %arg0 : i32
    %mul3A_1 = arith.constant 512 : i32
    %mul3A_2 = arith.muli %add3A, %mul3A_1 : i32
    %iota3A = tpu.iota {dimensions = array<i32: 0>} : vector<16xi32>
    %add3A_3 = arith.constant 0 : i32
    %add3A_4 = vector.broadcast %add3A_3 : i32 to vector<16xi32>
    %add3A_5 = arith.addi %iota3A, %add3A_4 : vector<16xi32>
    %add3A_6 = arith.constant 16 : i32
    %add3A_7 = vector.broadcast %add3A_6 : i32 to vector<16xi32>
    %add3A_8 = arith.addi %iota3A, %add3A_7 : vector<16xi32>
    %add3A_9 = arith.constant 32 : i32
    %add3A_10 = vector.broadcast %add3A_9 : i32 to vector<16xi32>
    %add3A_11 = arith.addi %iota3A, %add3A_10 : vector<16xi32>
    %add3A_12 = arith.constant 48 : i32
    %add3A_13 = vector.broadcast %add3A_12 : i32 to vector<16xi32>
    %add3A_14 = arith.addi %iota3A, %add3A_13 : vector<16xi32>
    %add3A_15 = arith.constant 64 : i32
    %add3A_16 = vector.broadcast %add3A_15 : i32 to vector<16xi32>
    %add3A_17 = arith.addi %iota3A, %add3A_16 : vector<16xi32>
    %add3A_18 = arith.constant 80 : i32
    %add3A_19 = vector.broadcast %add3A_18 : i32 to vector<16xi32>
    %add3A_20 = arith.addi %iota3A, %add3A_19 : vector<16xi32>
    %add3A_21 = arith.constant 96 : i32
    %add3A_22 = vector.broadcast %add3A_21 : i32 to vector<16xi32>
    %add3A_23 = arith.addi %iota3A, %add3A_22 : vector<16xi32>
    %add3A_24 = arith.constant 112 : i32
    %add3A_25 = vector.broadcast %add3A_24 : i32 to vector<16xi32>
    %add3A_26 = arith.addi %iota3A, %add3A_25 : vector<16xi32>
    %add3A_27 = arith.constant 128 : i32
    %add3A_28 = vector.broadcast %add3A_27 : i32 to vector<16xi32>
    %add3A_29 = arith.addi %iota3A, %add3A_28 : vector<16xi32>
    %add3A_30 = arith.constant 144 : i32
    %add3A_31 = vector.broadcast %add3A_30 : i32 to vector<16xi32>
    %add3A_32 = arith.addi %iota3A, %add3A_31 : vector<16xi32>
    %add3A_33 = arith.constant 160 : i32
    %add3A_34 = vector.broadcast %add3A_33 : i32 to vector<16xi32>
    %add3A_35 = arith.addi %iota3A, %add3A_34 : vector<16xi32>
    %add3A_36 = arith.constant 176 : i32
    %add3A_37 = vector.broadcast %add3A_36 : i32 to vector<16xi32>
    %add3A_38 = arith.addi %iota3A, %add3A_37 : vector<16xi32>
    %add3A_39 = arith.constant 192 : i32
    %add3A_40 = vector.broadcast %add3A_39 : i32 to vector<16xi32>
    %add3A_41 = arith.addi %iota3A, %add3A_40 : vector<16xi32>
    %add3A_42 = arith.constant 208 : i32
    %add3A_43 = vector.broadcast %add3A_42 : i32 to vector<16xi32>
    %add3A_44 = arith.addi %iota3A, %add3A_43 : vector<16xi32>
    %add3A_45 = arith.constant 224 : i32
    %add3A_46 = vector.broadcast %add3A_45 : i32 to vector<16xi32>
    %add3A_47 = arith.addi %iota3A, %add3A_46 : vector<16xi32>
    %add3A_48 = arith.constant 240 : i32
    %add3A_49 = vector.broadcast %add3A_48 : i32 to vector<16xi32>
    %add3A_50 = arith.addi %iota3A, %add3A_49 : vector<16xi32>
    %dma_start3A = arith.constant 0 : i32
    %dma_start3A_51 = tpu.memref_slice %arg2[%dma_start3A, %mul3A_2] : memref<50x16384xi32, #tpu.memory_space<hbm>> -> memref<50x512xi32, #tpu.memory_space<hbm>>
    %dma_start3A_52 = arith.constant 0 : i32
    %dma_start3A_53 = tpu.memref_slice %arg2[%dma_start3A_52, %mul3A_2] : memref<50x16384xi32, #tpu.memory_space<hbm>> -> memref<50x512xi32, #tpu.memory_space<hbm>>
    tpu.enqueue_dma source(%dma_start3A_53 : memref<50x512xi32, #tpu.memory_space<hbm>>) target(%arg5 : memref<50x512xi32, #tpu.memory_space<vmem>>) target_semaphore(%arg10 : memref<!tpu.dma_semaphore, #tpu.memory_space<semaphore_mem>>)
    %dma_wait3A = arith.constant 0 : i32
    %dma_wait3A_54 = tpu.memref_slice %arg2[%dma_wait3A, %mul3A_2] : memref<50x16384xi32, #tpu.memory_space<hbm>> -> memref<50x512xi32, #tpu.memory_space<hbm>>
    %dma_wait3A_55 = arith.constant 0 : i32
    %dma_wait3A_56 = tpu.memref_slice %arg2[%dma_wait3A_55, %mul3A_2] : memref<50x16384xi32, #tpu.memory_space<hbm>> -> memref<50x512xi32, #tpu.memory_space<hbm>>
    tpu.wait_dma2 semaphore(%arg10 : memref<!tpu.dma_semaphore, #tpu.memory_space<semaphore_mem>>) src(%dma_wait3A_56 : memref<50x512xi32, #tpu.memory_space<hbm>>) dst(%arg5 : memref<50x512xi32, #tpu.memory_space<vmem>>)
    %dma_start3A_57 = arith.constant 0 : i32
    %dma_start3A_58 = arith.constant 0 : i32
    %dma_start3A_59 = tpu.memref_slice %arg5[%dma_start3A_57, %dma_start3A_58] : memref<50x512xi32, #tpu.memory_space<vmem>> -> memref<1x256xi32, #tpu.memory_space<vmem>>
    %dma_start3A_60 = tpu.memref_squeeze %dma_start3A_59 : memref<1x256xi32, #tpu.memory_space<vmem>> -> memref<256xi32, #tpu.memory_space<vmem>>
    %dma_start3A_61 = arith.constant 0 : i32
    %dma_start3A_62 = arith.constant 0 : i32
    %dma_start3A_63 = tpu.memref_slice %arg3[%dma_start3A_61, %dma_start3A_62] : memref<100002x64xf32, #tpu.memory_space<hbm>> -> memref<100002x64xf32, #tpu.memory_space<hbm>>
    tpu.enqueue_indirect_dma source(%dma_start3A_63 : memref<100002x64xf32, #tpu.memory_space<hbm>>) target(%arg6 : memref<256x64xf32, #tpu.memory_space<vmem>>) offsets(%dma_start3A_60 : memref<256xi32, #tpu.memory_space<vmem>>) semaphore(%arg11 : memref<!tpu.dma_semaphore, #tpu.memory_space<semaphore_mem>>)
    %dma_start3A_64 = arith.constant 0 : i32
    %dma_start3A_65 = arith.constant 256 : i32
    %dma_start3A_66 = tpu.memref_slice %arg5[%dma_start3A_64, %dma_start3A_65] : memref<50x512xi32, #tpu.memory_space<vmem>> -> memref<1x256xi32, #tpu.memory_space<vmem>>
    %dma_start3A_67 = tpu.memref_squeeze %dma_start3A_66 : memref<1x256xi32, #tpu.memory_space<vmem>> -> memref<256xi32, #tpu.memory_space<vmem>>
    %dma_start3A_68 = arith.constant 0 : i32
    %dma_start3A_69 = arith.constant 0 : i32
    %dma_start3A_70 = tpu.memref_slice %arg3[%dma_start3A_68, %dma_start3A_69] : memref<100002x64xf32, #tpu.memory_space<hbm>> -> memref<100002x64xf32, #tpu.memory_space<hbm>>
    tpu.enqueue_indirect_dma source(%dma_start3A_70 : memref<100002x64xf32, #tpu.memory_space<hbm>>) target(%arg7 : memref<256x64xf32, #tpu.memory_space<vmem>>) offsets(%dma_start3A_67 : memref<256xi32, #tpu.memory_space<vmem>>) semaphore(%arg12 : memref<!tpu.dma_semaphore, #tpu.memory_space<semaphore_mem>>)
    %scan3A = arith.constant 0 : i32
    %scan3A_71 = arith.constant 0 : i32
    %scan3A_72 = arith.constant 50 : i32
    %scan3A_73 = arith.addi %scan3A_71, %scan3A_72 : i32
    %scan3A_74 = arith.constant 1 : i32
    scf.for %scan3A_106 = %scan3A_71 to %scan3A_73 step %scan3A_74  : i32 {
      %mul3A_107 = arith.constant 2 : i32
      %mul3A_108 = arith.muli %mul3A_107, %scan3A_106 : i32
      %jit3A = arith.constant 2 : i32
      %div3A = arith.divsi %mul3A_108, %jit3A : i32
      %sign3A = arith.constant 0 : i32
      %sign3A_109 = arith.cmpi sgt, %mul3A_108, %sign3A : i32
      %sign3A_110 = arith.extui %sign3A_109 : i1 to i32
      %sign3A_111 = arith.constant 0 : i32
      %sign3A_112 = arith.cmpi slt, %mul3A_108, %sign3A_111 : i32
      %sign3A_113 = arith.extui %sign3A_112 : i1 to i32
      %sign3A_114 = arith.subi %sign3A_110, %sign3A_113 : i32
      %sign3A_115 = arith.constant 0 : i32
      %sign3A_116 = arith.cmpi sgt, %jit3A, %sign3A_115 : i32
      %sign3A_117 = arith.extui %sign3A_116 : i1 to i32
      %sign3A_118 = arith.constant 0 : i32
      %sign3A_119 = arith.cmpi slt, %jit3A, %sign3A_118 : i32
      %sign3A_120 = arith.extui %sign3A_119 : i1 to i32
      %sign3A_121 = arith.subi %sign3A_117, %sign3A_120 : i32
      %ne3A = arith.cmpi ne, %sign3A_114, %sign3A_121 : i32
      %rem3A = arith.remsi %mul3A_108, %jit3A : i32
      %ne3A_122 = arith.constant 0 : i32
      %ne3A_123 = arith.cmpi ne, %rem3A, %ne3A_122 : i32
      %and3A = arith.andi %ne3A, %ne3A_123 : i1
      %sub3A = arith.constant 1 : i32
      %sub3A_124 = arith.subi %div3A, %sub3A : i32
      %select_n3A = arith.select %and3A, %sub3A_124, %div3A : i32
      %jit3A_125 = arith.constant 2 : i32
      %eq3A = arith.constant 0 : i32
      %eq3A_126 = arith.cmpi eq, %jit3A_125, %eq3A : i32
      %jit3A_127 = arith.constant 1 : i32
      %select_n3A_128 = arith.select %eq3A_126, %jit3A_127, %jit3A_125 : i32
      %rem3A_129 = arith.remsi %mul3A_108, %select_n3A_128 : i32
      %ne3A_130 = arith.constant 0 : i32
      %ne3A_131 = arith.cmpi ne, %rem3A_129, %ne3A_130 : i32
      %lt3A = arith.constant 0 : i32
      %lt3A_132 = arith.cmpi slt, %rem3A_129, %lt3A : i32
      %lt3A_133 = arith.constant 0 : i32
      %lt3A_134 = arith.cmpi slt, %select_n3A_128, %lt3A_133 : i32
      %ne3A_135 = arith.xori %lt3A_132, %lt3A_134 : i1
      %and3A_136 = arith.andi %ne3A_135, %ne3A_131 : i1
      %add3A_137 = arith.addi %rem3A_129, %select_n3A_128 : i32
      %select_n3A_138 = arith.select %and3A_136, %add3A_137, %rem3A_129 : i32
      %mul3A_139 = arith.constant 256 : i32
      %mul3A_140 = arith.muli %select_n3A_138, %mul3A_139 : i32
      %dma_wait3A_141 = tpu.memref_slice %arg5[%select_n3A, %mul3A_140] : memref<50x512xi32, #tpu.memory_space<vmem>> -> memref<1x256xi32, #tpu.memory_space<vmem>>
      %dma_wait3A_142 = tpu.memref_squeeze %dma_wait3A_141 : memref<1x256xi32, #tpu.memory_space<vmem>> -> memref<256xi32, #tpu.memory_space<vmem>>
      %dma_wait3A_143 = arith.constant 0 : i32
      %dma_wait3A_144 = arith.constant 0 : i32
      %dma_wait3A_145 = tpu.memref_slice %arg3[%dma_wait3A_143, %dma_wait3A_144] : memref<100002x64xf32, #tpu.memory_space<hbm>> -> memref<100002x64xf32, #tpu.memory_space<hbm>>
      tpu.wait_indirect_dma semaphore(%arg11 : memref<!tpu.dma_semaphore, #tpu.memory_space<semaphore_mem>>) src(%dma_wait3A_145 : memref<100002x64xf32, #tpu.memory_space<hbm>>) dst(%arg6 : memref<256x64xf32, #tpu.memory_space<vmem>>)
      %gt3A = arith.constant 0 : i32
      %gt3A_146 = arith.cmpi sgt, %scan3A_106, %gt3A : i32
      %convert_element_type3A = arith.extui %gt3A_146 : i1 to i32
      %cond3A = arith.constant 0 : i32
      %cond3A_147 = arith.cmpi ne, %convert_element_type3A, %cond3A : i32
      scf.if %cond3A_147 {
        %sub3A_329 = arith.constant 2 : i32
        %sub3A_330 = arith.subi %mul3A_108, %sub3A_329 : i32
        %jit3A_331 = arith.constant 2 : i32
        %div3A_332 = arith.divsi %sub3A_330, %jit3A_331 : i32
        %sign3A_333 = arith.constant 0 : i32
        %sign3A_334 = arith.cmpi sgt, %sub3A_330, %sign3A_333 : i32
        %sign3A_335 = arith.extui %sign3A_334 : i1 to i32
        %sign3A_336 = arith.constant 0 : i32
        %sign3A_337 = arith.cmpi slt, %sub3A_330, %sign3A_336 : i32
        %sign3A_338 = arith.extui %sign3A_337 : i1 to i32
        %sign3A_339 = arith.subi %sign3A_335, %sign3A_338 : i32
        %sign3A_340 = arith.constant 0 : i32
        %sign3A_341 = arith.cmpi sgt, %jit3A_331, %sign3A_340 : i32
        %sign3A_342 = arith.extui %sign3A_341 : i1 to i32
        %sign3A_343 = arith.constant 0 : i32
        %sign3A_344 = arith.cmpi slt, %jit3A_331, %sign3A_343 : i32
        %sign3A_345 = arith.extui %sign3A_344 : i1 to i32
        %sign3A_346 = arith.subi %sign3A_342, %sign3A_345 : i32
        %ne3A_347 = arith.cmpi ne, %sign3A_339, %sign3A_346 : i32
        %rem3A_348 = arith.remsi %sub3A_330, %jit3A_331 : i32
        %ne3A_349 = arith.constant 0 : i32
        %ne3A_350 = arith.cmpi ne, %rem3A_348, %ne3A_349 : i32
        %and3A_351 = arith.andi %ne3A_347, %ne3A_350 : i1
        %sub3A_352 = arith.constant 1 : i32
        %sub3A_353 = arith.subi %div3A_332, %sub3A_352 : i32
        %select_n3A_354 = arith.select %and3A_351, %sub3A_353, %div3A_332 : i32
        %mul3A_355 = arith.constant 4 : i32
        %mul3A_356 = arith.muli %add3A, %mul3A_355 : i32
        %jit3A_357 = arith.constant 2 : i32
        %eq3A_358 = arith.constant 0 : i32
        %eq3A_359 = arith.cmpi eq, %jit3A_357, %eq3A_358 : i32
        %jit3A_360 = arith.constant 1 : i32
        %select_n3A_361 = arith.select %eq3A_359, %jit3A_360, %jit3A_357 : i32
        %rem3A_362 = arith.remsi %sub3A_330, %select_n3A_361 : i32
        %ne3A_363 = arith.constant 0 : i32
        %ne3A_364 = arith.cmpi ne, %rem3A_362, %ne3A_363 : i32
        %lt3A_365 = arith.constant 0 : i32
        %lt3A_366 = arith.cmpi slt, %rem3A_362, %lt3A_365 : i32
        %lt3A_367 = arith.constant 0 : i32
        %lt3A_368 = arith.cmpi slt, %select_n3A_361, %lt3A_367 : i32
        %ne3A_369 = arith.xori %lt3A_366, %lt3A_368 : i1
        %and3A_370 = arith.andi %ne3A_369, %ne3A_364 : i1
        %add3A_371 = arith.addi %rem3A_362, %select_n3A_361 : i32
        %select_n3A_372 = arith.select %and3A_370, %add3A_371, %rem3A_362 : i32
        %mul3A_373 = arith.constant 2 : i32
        %mul3A_374 = arith.muli %select_n3A_372, %mul3A_373 : i32
        %add3A_375 = arith.addi %mul3A_356, %mul3A_374 : i32
        %dma_wait3A_376 = arith.constant 0 : i32
        %dma_wait3A_377 = arith.constant 0 : i32
        %dma_wait3A_378 = arith.constant 0 : i32
        %dma_wait3A_379 = tpu.memref_slice %arg4[%select_n3A_354, %dma_wait3A_376, %add3A_375, %dma_wait3A_377, %dma_wait3A_378] : memref<50x8x128x8x128xf32, #tpu.memory_space<hbm>> -> memref<1x8x2x8x128xf32, #tpu.memory_space<hbm>>
        %dma_wait3A_380 = tpu.memref_squeeze %dma_wait3A_379 : memref<1x8x2x8x128xf32, #tpu.memory_space<hbm>> -> memref<8x2x8x128xf32, #tpu.memory_space<hbm>>
        %dma_wait3A_381 = arith.constant 0 : i32
        %dma_wait3A_382 = arith.constant 0 : i32
        %dma_wait3A_383 = arith.constant 0 : i32
        %dma_wait3A_384 = tpu.memref_slice %arg4[%select_n3A_354, %dma_wait3A_381, %add3A_375, %dma_wait3A_382, %dma_wait3A_383] : memref<50x8x128x8x128xf32, #tpu.memory_space<hbm>> -> memref<1x8x2x8x128xf32, #tpu.memory_space<hbm>>
        %dma_wait3A_385 = tpu.memref_squeeze %dma_wait3A_384 : memref<1x8x2x8x128xf32, #tpu.memory_space<hbm>> -> memref<8x2x8x128xf32, #tpu.memory_space<hbm>>
        tpu.wait_dma2 semaphore(%arg13 : memref<!tpu.dma_semaphore, #tpu.memory_space<semaphore_mem>>) src(%arg8 : memref<8x2x8x128xf32, #tpu.memory_space<vmem>>) dst(%dma_wait3A_385 : memref<8x2x8x128xf32, #tpu.memory_space<hbm>>)
      } else {
      }
      %parallel_loop3A = arith.constant 0 : i32
      %parallel_loop3A_148 = arith.constant 64 : i32
      %parallel_loop3A_149 = arith.constant 1 : i32
      scf.for %parallel_loop3A_329 = %parallel_loop3A to %parallel_loop3A_148 step %parallel_loop3A_149  : i32 {
        %parallel_loop3A_330 = arith.constant 3 : i32
        %parallel_loop3A_331 = arith.shrsi %parallel_loop3A_329, %parallel_loop3A_330 : i32
        %parallel_loop3A_332 = arith.constant 7 : i32
        %parallel_loop3A_333 = arith.andi %parallel_loop3A_329, %parallel_loop3A_332 : i32
        %parallel_loop3A_334 = vector.broadcast %parallel_loop3A_329 : i32 to vector<16xi32>
        %parallel_loop3A_335 = tpu.vector_load_idx %arg6[%add3A_5, %parallel_loop3A_334] : memref<256x64xf32, #tpu.memory_space<vmem>>[vector<16xi32>, vector<16xi32>], vector<16xf32>,
        %parallel_loop3A_336 = arith.constant 0 : i32
        %parallel_loop3A_337 = arith.index_cast %parallel_loop3A_331 : i32 to index
        %parallel_loop3A_338 = arith.index_cast %parallel_loop3A_336 : i32 to index
        %parallel_loop3A_339 = arith.index_cast %parallel_loop3A_333 : i32 to index
        %parallel_loop3A_340 = arith.constant 0 : index
        %parallel_loop3A_341 = tpu.vector_load %arg8[%parallel_loop3A_337, %parallel_loop3A_338, %parallel_loop3A_339, %parallel_loop3A_340] {strides = array<i32>} : memref<8x2x8x128xf32, #tpu.memory_space<vmem>>, vector<16xf32>,
        tpu.vector_store %arg8[%parallel_loop3A_337, %parallel_loop3A_338, %parallel_loop3A_339, %parallel_loop3A_340], %parallel_loop3A_335 {strides = array<i32>} : memref<8x2x8x128xf32, #tpu.memory_space<vmem>>, vector<16xf32>,
        %parallel_loop3A_342 = tpu.vector_load_idx %arg6[%add3A_8, %parallel_loop3A_334] : memref<256x64xf32, #tpu.memory_space<vmem>>[vector<16xi32>, vector<16xi32>], vector<16xf32>,
        %parallel_loop3A_343 = arith.constant 0 : i32
        %parallel_loop3A_344 = arith.index_cast %parallel_loop3A_331 : i32 to index
        %parallel_loop3A_345 = arith.index_cast %parallel_loop3A_343 : i32 to index
        %parallel_loop3A_346 = arith.index_cast %parallel_loop3A_333 : i32 to index
        %parallel_loop3A_347 = arith.constant 16 : index
        %parallel_loop3A_348 = tpu.vector_load %arg8[%parallel_loop3A_344, %parallel_loop3A_345, %parallel_loop3A_346, %parallel_loop3A_347] {strides = array<i32>} : memref<8x2x8x128xf32, #tpu.memory_space<vmem>>, vector<16xf32>,
        tpu.vector_store %arg8[%parallel_loop3A_344, %parallel_loop3A_345, %parallel_loop3A_346, %parallel_loop3A_347], %parallel_loop3A_342 {strides = array<i32>} : memref<8x2x8x128xf32, #tpu.memory_space<vmem>>, vector<16xf32>,
        %parallel_loop3A_349 = tpu.vector_load_idx %arg6[%add3A_11, %parallel_loop3A_334] : memref<256x64xf32, #tpu.memory_space<vmem>>[vector<16xi32>, vector<16xi32>], vector<16xf32>,
        %parallel_loop3A_350 = arith.constant 0 : i32
        %parallel_loop3A_351 = arith.index_cast %parallel_loop3A_331 : i32 to index
        %parallel_loop3A_352 = arith.index_cast %parallel_loop3A_350 : i32 to index
        %parallel_loop3A_353 = arith.index_cast %parallel_loop3A_333 : i32 to index
        %parallel_loop3A_354 = arith.constant 32 : index
        %parallel_loop3A_355 = tpu.vector_load %arg8[%parallel_loop3A_351, %parallel_loop3A_352, %parallel_loop3A_353, %parallel_loop3A_354] {strides = array<i32>} : memref<8x2x8x128xf32, #tpu.memory_space<vmem>>, vector<16xf32>,
        tpu.vector_store %arg8[%parallel_loop3A_351, %parallel_loop3A_352, %parallel_loop3A_353, %parallel_loop3A_354], %parallel_loop3A_349 {strides = array<i32>} : memref<8x2x8x128xf32, #tpu.memory_space<vmem>>, vector<16xf32>,
        %parallel_loop3A_356 = tpu.vector_load_idx %arg6[%add3A_14, %parallel_loop3A_334] : memref<256x64xf32, #tpu.memory_space<vmem>>[vector<16xi32>, vector<16xi32>], vector<16xf32>,
        %parallel_loop3A_357 = arith.constant 0 : i32
        %parallel_loop3A_358 = arith.index_cast %parallel_loop3A_331 : i32 to index
        %parallel_loop3A_359 = arith.index_cast %parallel_loop3A_357 : i32 to index
        %parallel_loop3A_360 = arith.index_cast %parallel_loop3A_333 : i32 to index
        %parallel_loop3A_361 = arith.constant 48 : index
        %parallel_loop3A_362 = tpu.vector_load %arg8[%parallel_loop3A_358, %parallel_loop3A_359, %parallel_loop3A_360, %parallel_loop3A_361] {strides = array<i32>} : memref<8x2x8x128xf32, #tpu.memory_space<vmem>>, vector<16xf32>,
        tpu.vector_store %arg8[%parallel_loop3A_358, %parallel_loop3A_359, %parallel_loop3A_360, %parallel_loop3A_361], %parallel_loop3A_356 {strides = array<i32>} : memref<8x2x8x128xf32, #tpu.memory_space<vmem>>, vector<16xf32>,
        %parallel_loop3A_363 = tpu.vector_load_idx %arg6[%add3A_17, %parallel_loop3A_334] : memref<256x64xf32, #tpu.memory_space<vmem>>[vector<16xi32>, vector<16xi32>], vector<16xf32>,
        %parallel_loop3A_364 = arith.constant 0 : i32
        %parallel_loop3A_365 = arith.index_cast %parallel_loop3A_331 : i32 to index
        %parallel_loop3A_366 = arith.index_cast %parallel_loop3A_364 : i32 to index
        %parallel_loop3A_367 = arith.index_cast %parallel_loop3A_333 : i32 to index
        %parallel_loop3A_368 = arith.constant 64 : index
        %parallel_loop3A_369 = tpu.vector_load %arg8[%parallel_loop3A_365, %parallel_loop3A_366, %parallel_loop3A_367, %parallel_loop3A_368] {strides = array<i32>} : memref<8x2x8x128xf32, #tpu.memory_space<vmem>>, vector<16xf32>,
        tpu.vector_store %arg8[%parallel_loop3A_365, %parallel_loop3A_366, %parallel_loop3A_367, %parallel_loop3A_368], %parallel_loop3A_363 {strides = array<i32>} : memref<8x2x8x128xf32, #tpu.memory_space<vmem>>, vector<16xf32>,
        %parallel_loop3A_370 = tpu.vector_load_idx %arg6[%add3A_20, %parallel_loop3A_334] : memref<256x64xf32, #tpu.memory_space<vmem>>[vector<16xi32>, vector<16xi32>], vector<16xf32>,
        %parallel_loop3A_371 = arith.constant 0 : i32
        %parallel_loop3A_372 = arith.index_cast %parallel_loop3A_331 : i32 to index
        %parallel_loop3A_373 = arith.index_cast %parallel_loop3A_371 : i32 to index
        %parallel_loop3A_374 = arith.index_cast %parallel_loop3A_333 : i32 to index
        %parallel_loop3A_375 = arith.constant 80 : index
        %parallel_loop3A_376 = tpu.vector_load %arg8[%parallel_loop3A_372, %parallel_loop3A_373, %parallel_loop3A_374, %parallel_loop3A_375] {strides = array<i32>} : memref<8x2x8x128xf32, #tpu.memory_space<vmem>>, vector<16xf32>,
        tpu.vector_store %arg8[%parallel_loop3A_372, %parallel_loop3A_373, %parallel_loop3A_374, %parallel_loop3A_375], %parallel_loop3A_370 {strides = array<i32>} : memref<8x2x8x128xf32, #tpu.memory_space<vmem>>, vector<16xf32>,
        %parallel_loop3A_377 = tpu.vector_load_idx %arg6[%add3A_23, %parallel_loop3A_334] : memref<256x64xf32, #tpu.memory_space<vmem>>[vector<16xi32>, vector<16xi32>], vector<16xf32>,
        %parallel_loop3A_378 = arith.constant 0 : i32
        %parallel_loop3A_379 = arith.index_cast %parallel_loop3A_331 : i32 to index
        %parallel_loop3A_380 = arith.index_cast %parallel_loop3A_378 : i32 to index
        %parallel_loop3A_381 = arith.index_cast %parallel_loop3A_333 : i32 to index
        %parallel_loop3A_382 = arith.constant 96 : index
        %parallel_loop3A_383 = tpu.vector_load %arg8[%parallel_loop3A_379, %parallel_loop3A_380, %parallel_loop3A_381, %parallel_loop3A_382] {strides = array<i32>} : memref<8x2x8x128xf32, #tpu.memory_space<vmem>>, vector<16xf32>,
        tpu.vector_store %arg8[%parallel_loop3A_379, %parallel_loop3A_380, %parallel_loop3A_381, %parallel_loop3A_382], %parallel_loop3A_377 {strides = array<i32>} : memref<8x2x8x128xf32, #tpu.memory_space<vmem>>, vector<16xf32>,
        %parallel_loop3A_384 = tpu.vector_load_idx %arg6[%add3A_26, %parallel_loop3A_334] : memref<256x64xf32, #tpu.memory_space<vmem>>[vector<16xi32>, vector<16xi32>], vector<16xf32>,
        %parallel_loop3A_385 = arith.constant 0 : i32
        %parallel_loop3A_386 = arith.index_cast %parallel_loop3A_331 : i32 to index
        %parallel_loop3A_387 = arith.index_cast %parallel_loop3A_385 : i32 to index
        %parallel_loop3A_388 = arith.index_cast %parallel_loop3A_333 : i32 to index
        %parallel_loop3A_389 = arith.constant 112 : index
        %parallel_loop3A_390 = tpu.vector_load %arg8[%parallel_loop3A_386, %parallel_loop3A_387, %parallel_loop3A_388, %parallel_loop3A_389] {strides = array<i32>} : memref<8x2x8x128xf32, #tpu.memory_space<vmem>>, vector<16xf32>,
        tpu.vector_store %arg8[%parallel_loop3A_386, %parallel_loop3A_387, %parallel_loop3A_388, %parallel_loop3A_389], %parallel_loop3A_384 {strides = array<i32>} : memref<8x2x8x128xf32, #tpu.memory_space<vmem>>, vector<16xf32>,
        %parallel_loop3A_391 = tpu.vector_load_idx %arg6[%add3A_29, %parallel_loop3A_334] : memref<256x64xf32, #tpu.memory_space<vmem>>[vector<16xi32>, vector<16xi32>], vector<16xf32>,
        %parallel_loop3A_392 = arith.constant 1 : i32
        %parallel_loop3A_393 = arith.index_cast %parallel_loop3A_331 : i32 to index
        %parallel_loop3A_394 = arith.index_cast %parallel_loop3A_392 : i32 to index
        %parallel_loop3A_395 = arith.index_cast %parallel_loop3A_333 : i32 to index
        %parallel_loop3A_396 = arith.constant 0 : index
        %parallel_loop3A_397 = tpu.vector_load %arg8[%parallel_loop3A_393, %parallel_loop3A_394, %parallel_loop3A_395, %parallel_loop3A_396] {strides = array<i32>} : memref<8x2x8x128xf32, #tpu.memory_space<vmem>>, vector<16xf32>,
        tpu.vector_store %arg8[%parallel_loop3A_393, %parallel_loop3A_394, %parallel_loop3A_395, %parallel_loop3A_396], %parallel_loop3A_391 {strides = array<i32>} : memref<8x2x8x128xf32, #tpu.memory_space<vmem>>, vector<16xf32>,
        %parallel_loop3A_398 = tpu.vector_load_idx %arg6[%add3A_32, %parallel_loop3A_334] : memref<256x64xf32, #tpu.memory_space<vmem>>[vector<16xi32>, vector<16xi32>], vector<16xf32>,
        %parallel_loop3A_399 = arith.constant 1 : i32
        %parallel_loop3A_400 = arith.index_cast %parallel_loop3A_331 : i32 to index
        %parallel_loop3A_401 = arith.index_cast %parallel_loop3A_399 : i32 to index
        %parallel_loop3A_402 = arith.index_cast %parallel_loop3A_333 : i32 to index
        %parallel_loop3A_403 = arith.constant 16 : index
        %parallel_loop3A_404 = tpu.vector_load %arg8[%parallel_loop3A_400, %parallel_loop3A_401, %parallel_loop3A_402, %parallel_loop3A_403] {strides = array<i32>} : memref<8x2x8x128xf32, #tpu.memory_space<vmem>>, vector<16xf32>,
        tpu.vector_store %arg8[%parallel_loop3A_400, %parallel_loop3A_401, %parallel_loop3A_402, %parallel_loop3A_403], %parallel_loop3A_398 {strides = array<i32>} : memref<8x2x8x128xf32, #tpu.memory_space<vmem>>, vector<16xf32>,
        %parallel_loop3A_405 = tpu.vector_load_idx %arg6[%add3A_35, %parallel_loop3A_334] : memref<256x64xf32, #tpu.memory_space<vmem>>[vector<16xi32>, vector<16xi32>], vector<16xf32>,
        %parallel_loop3A_406 = arith.constant 1 : i32
        %parallel_loop3A_407 = arith.index_cast %parallel_loop3A_331 : i32 to index
        %parallel_loop3A_408 = arith.index_cast %parallel_loop3A_406 : i32 to index
        %parallel_loop3A_409 = arith.index_cast %parallel_loop3A_333 : i32 to index
        %parallel_loop3A_410 = arith.constant 32 : index
        %parallel_loop3A_411 = tpu.vector_load %arg8[%parallel_loop3A_407, %parallel_loop3A_408, %parallel_loop3A_409, %parallel_loop3A_410] {strides = array<i32>} : memref<8x2x8x128xf32, #tpu.memory_space<vmem>>, vector<16xf32>,
        tpu.vector_store %arg8[%parallel_loop3A_407, %parallel_loop3A_408, %parallel_loop3A_409, %parallel_loop3A_410], %parallel_loop3A_405 {strides = array<i32>} : memref<8x2x8x128xf32, #tpu.memory_space<vmem>>, vector<16xf32>,
        %parallel_loop3A_412 = tpu.vector_load_idx %arg6[%add3A_38, %parallel_loop3A_334] : memref<256x64xf32, #tpu.memory_space<vmem>>[vector<16xi32>, vector<16xi32>], vector<16xf32>,
        %parallel_loop3A_413 = arith.constant 1 : i32
        %parallel_loop3A_414 = arith.index_cast %parallel_loop3A_331 : i32 to index
        %parallel_loop3A_415 = arith.index_cast %parallel_loop3A_413 : i32 to index
        %parallel_loop3A_416 = arith.index_cast %parallel_loop3A_333 : i32 to index
        %parallel_loop3A_417 = arith.constant 48 : index
        %parallel_loop3A_418 = tpu.vector_load %arg8[%parallel_loop3A_414, %parallel_loop3A_415, %parallel_loop3A_416, %parallel_loop3A_417] {strides = array<i32>} : memref<8x2x8x128xf32, #tpu.memory_space<vmem>>, vector<16xf32>,
        tpu.vector_store %arg8[%parallel_loop3A_414, %parallel_loop3A_415, %parallel_loop3A_416, %parallel_loop3A_417], %parallel_loop3A_412 {strides = array<i32>} : memref<8x2x8x128xf32, #tpu.memory_space<vmem>>, vector<16xf32>,
        %parallel_loop3A_419 = tpu.vector_load_idx %arg6[%add3A_41, %parallel_loop3A_334] : memref<256x64xf32, #tpu.memory_space<vmem>>[vector<16xi32>, vector<16xi32>], vector<16xf32>,
        %parallel_loop3A_420 = arith.constant 1 : i32
        %parallel_loop3A_421 = arith.index_cast %parallel_loop3A_331 : i32 to index
        %parallel_loop3A_422 = arith.index_cast %parallel_loop3A_420 : i32 to index
        %parallel_loop3A_423 = arith.index_cast %parallel_loop3A_333 : i32 to index
        %parallel_loop3A_424 = arith.constant 64 : index
        %parallel_loop3A_425 = tpu.vector_load %arg8[%parallel_loop3A_421, %parallel_loop3A_422, %parallel_loop3A_423, %parallel_loop3A_424] {strides = array<i32>} : memref<8x2x8x128xf32, #tpu.memory_space<vmem>>, vector<16xf32>,
        tpu.vector_store %arg8[%parallel_loop3A_421, %parallel_loop3A_422, %parallel_loop3A_423, %parallel_loop3A_424], %parallel_loop3A_419 {strides = array<i32>} : memref<8x2x8x128xf32, #tpu.memory_space<vmem>>, vector<16xf32>,
        %parallel_loop3A_426 = tpu.vector_load_idx %arg6[%add3A_44, %parallel_loop3A_334] : memref<256x64xf32, #tpu.memory_space<vmem>>[vector<16xi32>, vector<16xi32>], vector<16xf32>,
        %parallel_loop3A_427 = arith.constant 1 : i32
        %parallel_loop3A_428 = arith.index_cast %parallel_loop3A_331 : i32 to index
        %parallel_loop3A_429 = arith.index_cast %parallel_loop3A_427 : i32 to index
        %parallel_loop3A_430 = arith.index_cast %parallel_loop3A_333 : i32 to index
        %parallel_loop3A_431 = arith.constant 80 : index
        %parallel_loop3A_432 = tpu.vector_load %arg8[%parallel_loop3A_428, %parallel_loop3A_429, %parallel_loop3A_430, %parallel_loop3A_431] {strides = array<i32>} : memref<8x2x8x128xf32, #tpu.memory_space<vmem>>, vector<16xf32>,
        tpu.vector_store %arg8[%parallel_loop3A_428, %parallel_loop3A_429, %parallel_loop3A_430, %parallel_loop3A_431], %parallel_loop3A_426 {strides = array<i32>} : memref<8x2x8x128xf32, #tpu.memory_space<vmem>>, vector<16xf32>,
        %parallel_loop3A_433 = tpu.vector_load_idx %arg6[%add3A_47, %parallel_loop3A_334] : memref<256x64xf32, #tpu.memory_space<vmem>>[vector<16xi32>, vector<16xi32>], vector<16xf32>,
        %parallel_loop3A_434 = arith.constant 1 : i32
        %parallel_loop3A_435 = arith.index_cast %parallel_loop3A_331 : i32 to index
        %parallel_loop3A_436 = arith.index_cast %parallel_loop3A_434 : i32 to index
        %parallel_loop3A_437 = arith.index_cast %parallel_loop3A_333 : i32 to index
        %parallel_loop3A_438 = arith.constant 96 : index
        %parallel_loop3A_439 = tpu.vector_load %arg8[%parallel_loop3A_435, %parallel_loop3A_436, %parallel_loop3A_437, %parallel_loop3A_438] {strides = array<i32>} : memref<8x2x8x128xf32, #tpu.memory_space<vmem>>, vector<16xf32>,
        tpu.vector_store %arg8[%parallel_loop3A_435, %parallel_loop3A_436, %parallel_loop3A_437, %parallel_loop3A_438], %parallel_loop3A_433 {strides = array<i32>} : memref<8x2x8x128xf32, #tpu.memory_space<vmem>>, vector<16xf32>,
        %parallel_loop3A_440 = tpu.vector_load_idx %arg6[%add3A_50, %parallel_loop3A_334] : memref<256x64xf32, #tpu.memory_space<vmem>>[vector<16xi32>, vector<16xi32>], vector<16xf32>,
        %parallel_loop3A_441 = arith.constant 1 : i32
        %parallel_loop3A_442 = arith.index_cast %parallel_loop3A_331 : i32 to index
        %parallel_loop3A_443 = arith.index_cast %parallel_loop3A_441 : i32 to index
        %parallel_loop3A_444 = arith.index_cast %parallel_loop3A_333 : i32 to index
        %parallel_loop3A_445 = arith.constant 112 : index
        %parallel_loop3A_446 = tpu.vector_load %arg8[%parallel_loop3A_442, %parallel_loop3A_443, %parallel_loop3A_444, %parallel_loop3A_445] {strides = array<i32>} : memref<8x2x8x128xf32, #tpu.memory_space<vmem>>, vector<16xf32>,
        tpu.vector_store %arg8[%parallel_loop3A_442, %parallel_loop3A_443, %parallel_loop3A_444, %parallel_loop3A_445], %parallel_loop3A_440 {strides = array<i32>} : memref<8x2x8x128xf32, #tpu.memory_space<vmem>>, vector<16xf32>,
      } {sc.loop_unroll_factor = 4 : i64, sc.parallel_access}
      %lt3A_150 = arith.constant 49 : i32
      %lt3A_151 = arith.cmpi slt, %scan3A_106, %lt3A_150 : i32
      %convert_element_type3A_152 = arith.extui %lt3A_151 : i1 to i32
      %cond3A_153 = arith.constant 0 : i32
      %cond3A_154 = arith.cmpi ne, %convert_element_type3A_152, %cond3A_153 : i32
      scf.if %cond3A_154 {
        %add3A_329 = arith.constant 2 : i32
        %add3A_330 = arith.addi %mul3A_108, %add3A_329 : i32
        %jit3A_331 = arith.constant 2 : i32
        %div3A_332 = arith.divsi %add3A_330, %jit3A_331 : i32
        %sign3A_333 = arith.constant 0 : i32
        %sign3A_334 = arith.cmpi sgt, %add3A_330, %sign3A_333 : i32
        %sign3A_335 = arith.extui %sign3A_334 : i1 to i32
        %sign3A_336 = arith.constant 0 : i32
        %sign3A_337 = arith.cmpi slt, %add3A_330, %sign3A_336 : i32
        %sign3A_338 = arith.extui %sign3A_337 : i1 to i32
        %sign3A_339 = arith.subi %sign3A_335, %sign3A_338 : i32
        %sign3A_340 = arith.constant 0 : i32
        %sign3A_341 = arith.cmpi sgt, %jit3A_331, %sign3A_340 : i32
        %sign3A_342 = arith.extui %sign3A_341 : i1 to i32
        %sign3A_343 = arith.constant 0 : i32
        %sign3A_344 = arith.cmpi slt, %jit3A_331, %sign3A_343 : i32
        %sign3A_345 = arith.extui %sign3A_344 : i1 to i32
        %sign3A_346 = arith.subi %sign3A_342, %sign3A_345 : i32
        %ne3A_347 = arith.cmpi ne, %sign3A_339, %sign3A_346 : i32
        %rem3A_348 = arith.remsi %add3A_330, %jit3A_331 : i32
        %ne3A_349 = arith.constant 0 : i32
        %ne3A_350 = arith.cmpi ne, %rem3A_348, %ne3A_349 : i32
        %and3A_351 = arith.andi %ne3A_347, %ne3A_350 : i1
        %sub3A_352 = arith.constant 1 : i32
        %sub3A_353 = arith.subi %div3A_332, %sub3A_352 : i32
        %select_n3A_354 = arith.select %and3A_351, %sub3A_353, %div3A_332 : i32
        %jit3A_355 = arith.constant 2 : i32
        %eq3A_356 = arith.constant 0 : i32
        %eq3A_357 = arith.cmpi eq, %jit3A_355, %eq3A_356 : i32
        %jit3A_358 = arith.constant 1 : i32
        %select_n3A_359 = arith.select %eq3A_357, %jit3A_358, %jit3A_355 : i32
        %rem3A_360 = arith.remsi %add3A_330, %select_n3A_359 : i32
        %ne3A_361 = arith.constant 0 : i32
        %ne3A_362 = arith.cmpi ne, %rem3A_360, %ne3A_361 : i32
        %lt3A_363 = arith.constant 0 : i32
        %lt3A_364 = arith.cmpi slt, %rem3A_360, %lt3A_363 : i32
        %lt3A_365 = arith.constant 0 : i32
        %lt3A_366 = arith.cmpi slt, %select_n3A_359, %lt3A_365 : i32
        %ne3A_367 = arith.xori %lt3A_364, %lt3A_366 : i1
        %and3A_368 = arith.andi %ne3A_367, %ne3A_362 : i1
        %add3A_369 = arith.addi %rem3A_360, %select_n3A_359 : i32
        %select_n3A_370 = arith.select %and3A_368, %add3A_369, %rem3A_360 : i32
        %mul3A_371 = arith.constant 256 : i32
        %mul3A_372 = arith.muli %select_n3A_370, %mul3A_371 : i32
        %dma_start3A_373 = tpu.memref_slice %arg5[%select_n3A_354, %mul3A_372] : memref<50x512xi32, #tpu.memory_space<vmem>> -> memref<1x256xi32, #tpu.memory_space<vmem>>
        %dma_start3A_374 = tpu.memref_squeeze %dma_start3A_373 : memref<1x256xi32, #tpu.memory_space<vmem>> -> memref<256xi32, #tpu.memory_space<vmem>>
        %dma_start3A_375 = arith.constant 0 : i32
        %dma_start3A_376 = arith.constant 0 : i32
        %dma_start3A_377 = tpu.memref_slice %arg3[%dma_start3A_375, %dma_start3A_376] : memref<100002x64xf32, #tpu.memory_space<hbm>> -> memref<100002x64xf32, #tpu.memory_space<hbm>>
        tpu.enqueue_indirect_dma source(%dma_start3A_377 : memref<100002x64xf32, #tpu.memory_space<hbm>>) target(%arg6 : memref<256x64xf32, #tpu.memory_space<vmem>>) offsets(%dma_start3A_374 : memref<256xi32, #tpu.memory_space<vmem>>) semaphore(%arg11 : memref<!tpu.dma_semaphore, #tpu.memory_space<semaphore_mem>>)
      } else {
      }
      %jit3A_155 = arith.constant 2 : i32
      %div3A_156 = arith.divsi %mul3A_108, %jit3A_155 : i32
      %sign3A_157 = arith.constant 0 : i32
      %sign3A_158 = arith.cmpi sgt, %mul3A_108, %sign3A_157 : i32
      %sign3A_159 = arith.extui %sign3A_158 : i1 to i32
      %sign3A_160 = arith.constant 0 : i32
      %sign3A_161 = arith.cmpi slt, %mul3A_108, %sign3A_160 : i32
      %sign3A_162 = arith.extui %sign3A_161 : i1 to i32
      %sign3A_163 = arith.subi %sign3A_159, %sign3A_162 : i32
      %sign3A_164 = arith.constant 0 : i32
      %sign3A_165 = arith.cmpi sgt, %jit3A_155, %sign3A_164 : i32
      %sign3A_166 = arith.extui %sign3A_165 : i1 to i32
      %sign3A_167 = arith.constant 0 : i32
      %sign3A_168 = arith.cmpi slt, %jit3A_155, %sign3A_167 : i32
      %sign3A_169 = arith.extui %sign3A_168 : i1 to i32
      %sign3A_170 = arith.subi %sign3A_166, %sign3A_169 : i32
      %ne3A_171 = arith.cmpi ne, %sign3A_163, %sign3A_170 : i32
      %rem3A_172 = arith.remsi %mul3A_108, %jit3A_155 : i32
      %ne3A_173 = arith.constant 0 : i32
      %ne3A_174 = arith.cmpi ne, %rem3A_172, %ne3A_173 : i32
      %and3A_175 = arith.andi %ne3A_171, %ne3A_174 : i1
      %sub3A_176 = arith.constant 1 : i32
      %sub3A_177 = arith.subi %div3A_156, %sub3A_176 : i32
      %select_n3A_178 = arith.select %and3A_175, %sub3A_177, %div3A_156 : i32
      %mul3A_179 = arith.constant 4 : i32
      %mul3A_180 = arith.muli %add3A, %mul3A_179 : i32
      %jit3A_181 = arith.constant 2 : i32
      %eq3A_182 = arith.constant 0 : i32
      %eq3A_183 = arith.cmpi eq, %jit3A_181, %eq3A_182 : i32
      %jit3A_184 = arith.constant 1 : i32
      %select_n3A_185 = arith.select %eq3A_183, %jit3A_184, %jit3A_181 : i32
      %rem3A_186 = arith.remsi %mul3A_108, %select_n3A_185 : i32
      %ne3A_187 = arith.constant 0 : i32
      %ne3A_188 = arith.cmpi ne, %rem3A_186, %ne3A_187 : i32
      %lt3A_189 = arith.constant 0 : i32
      %lt3A_190 = arith.cmpi slt, %rem3A_186, %lt3A_189 : i32
      %lt3A_191 = arith.constant 0 : i32
      %lt3A_192 = arith.cmpi slt, %select_n3A_185, %lt3A_191 : i32
      %ne3A_193 = arith.xori %lt3A_190, %lt3A_192 : i1
      %and3A_194 = arith.andi %ne3A_193, %ne3A_188 : i1
      %add3A_195 = arith.addi %rem3A_186, %select_n3A_185 : i32
      %select_n3A_196 = arith.select %and3A_194, %add3A_195, %rem3A_186 : i32
      %mul3A_197 = arith.constant 2 : i32
      %mul3A_198 = arith.muli %select_n3A_196, %mul3A_197 : i32
      %add3A_199 = arith.addi %mul3A_180, %mul3A_198 : i32
      %dma_start3A_200 = arith.constant 0 : i32
      %dma_start3A_201 = arith.constant 0 : i32
      %dma_start3A_202 = arith.constant 0 : i32
      %dma_start3A_203 = tpu.memref_slice %arg4[%select_n3A_178, %dma_start3A_200, %add3A_199, %dma_start3A_201, %dma_start3A_202] : memref<50x8x128x8x128xf32, #tpu.memory_space<hbm>> -> memref<1x8x2x8x128xf32, #tpu.memory_space<hbm>>
      %dma_start3A_204 = tpu.memref_squeeze %dma_start3A_203 : memref<1x8x2x8x128xf32, #tpu.memory_space<hbm>> -> memref<8x2x8x128xf32, #tpu.memory_space<hbm>>
      %dma_start3A_205 = arith.constant 0 : i32
      %dma_start3A_206 = arith.constant 0 : i32
      %dma_start3A_207 = arith.constant 0 : i32
      %dma_start3A_208 = tpu.memref_slice %arg4[%select_n3A_178, %dma_start3A_205, %add3A_199, %dma_start3A_206, %dma_start3A_207] : memref<50x8x128x8x128xf32, #tpu.memory_space<hbm>> -> memref<1x8x2x8x128xf32, #tpu.memory_space<hbm>>
      %dma_start3A_209 = tpu.memref_squeeze %dma_start3A_208 : memref<1x8x2x8x128xf32, #tpu.memory_space<hbm>> -> memref<8x2x8x128xf32, #tpu.memory_space<hbm>>
      tpu.enqueue_dma source(%arg8 : memref<8x2x8x128xf32, #tpu.memory_space<vmem>>) target(%dma_start3A_209 : memref<8x2x8x128xf32, #tpu.memory_space<hbm>>) target_semaphore(%arg13 : memref<!tpu.dma_semaphore, #tpu.memory_space<semaphore_mem>>)
      %mul3A_210 = arith.constant 2 : i32
      %mul3A_211 = arith.muli %mul3A_210, %scan3A_106 : i32
      %add3A_212 = arith.constant 1 : i32
      %add3A_213 = arith.addi %mul3A_211, %add3A_212 : i32
      %jit3A_214 = arith.constant 2 : i32
      %div3A_215 = arith.divsi %add3A_213, %jit3A_214 : i32
      %sign3A_216 = arith.constant 0 : i32
      %sign3A_217 = arith.cmpi sgt, %add3A_213, %sign3A_216 : i32
      %sign3A_218 = arith.extui %sign3A_217 : i1 to i32
      %sign3A_219 = arith.constant 0 : i32
      %sign3A_220 = arith.cmpi slt, %add3A_213, %sign3A_219 : i32
      %sign3A_221 = arith.extui %sign3A_220 : i1 to i32
      %sign3A_222 = arith.subi %sign3A_218, %sign3A_221 : i32
      %sign3A_223 = arith.constant 0 : i32
      %sign3A_224 = arith.cmpi sgt, %jit3A_214, %sign3A_223 : i32
      %sign3A_225 = arith.extui %sign3A_224 : i1 to i32
      %sign3A_226 = arith.constant 0 : i32
      %sign3A_227 = arith.cmpi slt, %jit3A_214, %sign3A_226 : i32
      %sign3A_228 = arith.extui %sign3A_227 : i1 to i32
      %sign3A_229 = arith.subi %sign3A_225, %sign3A_228 : i32
      %ne3A_230 = arith.cmpi ne, %sign3A_222, %sign3A_229 : i32
      %rem3A_231 = arith.remsi %add3A_213, %jit3A_214 : i32
      %ne3A_232 = arith.constant 0 : i32
      %ne3A_233 = arith.cmpi ne, %rem3A_231, %ne3A_232 : i32
      %and3A_234 = arith.andi %ne3A_230, %ne3A_233 : i1
      %sub3A_235 = arith.constant 1 : i32
      %sub3A_236 = arith.subi %div3A_215, %sub3A_235 : i32
      %select_n3A_237 = arith.select %and3A_234, %sub3A_236, %div3A_215 : i32
      %jit3A_238 = arith.constant 2 : i32
      %eq3A_239 = arith.constant 0 : i32
      %eq3A_240 = arith.cmpi eq, %jit3A_238, %eq3A_239 : i32
      %jit3A_241 = arith.constant 1 : i32
      %select_n3A_242 = arith.select %eq3A_240, %jit3A_241, %jit3A_238 : i32
      %rem3A_243 = arith.remsi %add3A_213, %select_n3A_242 : i32
      %ne3A_244 = arith.constant 0 : i32
      %ne3A_245 = arith.cmpi ne, %rem3A_243, %ne3A_244 : i32
      %lt3A_246 = arith.constant 0 : i32
      %lt3A_247 = arith.cmpi slt, %rem3A_243, %lt3A_246 : i32
      %lt3A_248 = arith.constant 0 : i32
      %lt3A_249 = arith.cmpi slt, %select_n3A_242, %lt3A_248 : i32
      %ne3A_250 = arith.xori %lt3A_247, %lt3A_249 : i1
      %and3A_251 = arith.andi %ne3A_250, %ne3A_245 : i1
      %add3A_252 = arith.addi %rem3A_243, %select_n3A_242 : i32
      %select_n3A_253 = arith.select %and3A_251, %add3A_252, %rem3A_243 : i32
      %mul3A_254 = arith.constant 256 : i32
      %mul3A_255 = arith.muli %select_n3A_253, %mul3A_254 : i32
      %dma_wait3A_256 = tpu.memref_slice %arg5[%select_n3A_237, %mul3A_255] : memref<50x512xi32, #tpu.memory_space<vmem>> -> memref<1x256xi32, #tpu.memory_space<vmem>>
      %dma_wait3A_257 = tpu.memref_squeeze %dma_wait3A_256 : memref<1x256xi32, #tpu.memory_space<vmem>> -> memref<256xi32, #tpu.memory_space<vmem>>
      %dma_wait3A_258 = arith.constant 0 : i32
      %dma_wait3A_259 = arith.constant 0 : i32
      %dma_wait3A_260 = tpu.memref_slice %arg3[%dma_wait3A_258, %dma_wait3A_259] : memref<100002x64xf32, #tpu.memory_space<hbm>> -> memref<100002x64xf32, #tpu.memory_space<hbm>>
      tpu.wait_indirect_dma semaphore(%arg12 : memref<!tpu.dma_semaphore, #tpu.memory_space<semaphore_mem>>) src(%dma_wait3A_260 : memref<100002x64xf32, #tpu.memory_space<hbm>>) dst(%arg7 : memref<256x64xf32, #tpu.memory_space<vmem>>)
      %gt3A_261 = arith.constant 0 : i32
      %gt3A_262 = arith.cmpi sgt, %scan3A_106, %gt3A_261 : i32
      %convert_element_type3A_263 = arith.extui %gt3A_262 : i1 to i32
      %cond3A_264 = arith.constant 0 : i32
      %cond3A_265 = arith.cmpi ne, %convert_element_type3A_263, %cond3A_264 : i32
      scf.if %cond3A_265 {
        %sub3A_329 = arith.constant 2 : i32
        %sub3A_330 = arith.subi %add3A_213, %sub3A_329 : i32
        %jit3A_331 = arith.constant 2 : i32
        %div3A_332 = arith.divsi %sub3A_330, %jit3A_331 : i32
        %sign3A_333 = arith.constant 0 : i32
        %sign3A_334 = arith.cmpi sgt, %sub3A_330, %sign3A_333 : i32
        %sign3A_335 = arith.extui %sign3A_334 : i1 to i32
        %sign3A_336 = arith.constant 0 : i32
        %sign3A_337 = arith.cmpi slt, %sub3A_330, %sign3A_336 : i32
        %sign3A_338 = arith.extui %sign3A_337 : i1 to i32
        %sign3A_339 = arith.subi %sign3A_335, %sign3A_338 : i32
        %sign3A_340 = arith.constant 0 : i32
        %sign3A_341 = arith.cmpi sgt, %jit3A_331, %sign3A_340 : i32
        %sign3A_342 = arith.extui %sign3A_341 : i1 to i32
        %sign3A_343 = arith.constant 0 : i32
        %sign3A_344 = arith.cmpi slt, %jit3A_331, %sign3A_343 : i32
        %sign3A_345 = arith.extui %sign3A_344 : i1 to i32
        %sign3A_346 = arith.subi %sign3A_342, %sign3A_345 : i32
        %ne3A_347 = arith.cmpi ne, %sign3A_339, %sign3A_346 : i32
        %rem3A_348 = arith.remsi %sub3A_330, %jit3A_331 : i32
        %ne3A_349 = arith.constant 0 : i32
        %ne3A_350 = arith.cmpi ne, %rem3A_348, %ne3A_349 : i32
        %and3A_351 = arith.andi %ne3A_347, %ne3A_350 : i1
        %sub3A_352 = arith.constant 1 : i32
        %sub3A_353 = arith.subi %div3A_332, %sub3A_352 : i32
        %select_n3A_354 = arith.select %and3A_351, %sub3A_353, %div3A_332 : i32
        %mul3A_355 = arith.constant 4 : i32
        %mul3A_356 = arith.muli %add3A, %mul3A_355 : i32
        %jit3A_357 = arith.constant 2 : i32
        %eq3A_358 = arith.constant 0 : i32
        %eq3A_359 = arith.cmpi eq, %jit3A_357, %eq3A_358 : i32
        %jit3A_360 = arith.constant 1 : i32
        %select_n3A_361 = arith.select %eq3A_359, %jit3A_360, %jit3A_357 : i32
        %rem3A_362 = arith.remsi %sub3A_330, %select_n3A_361 : i32
        %ne3A_363 = arith.constant 0 : i32
        %ne3A_364 = arith.cmpi ne, %rem3A_362, %ne3A_363 : i32
        %lt3A_365 = arith.constant 0 : i32
        %lt3A_366 = arith.cmpi slt, %rem3A_362, %lt3A_365 : i32
        %lt3A_367 = arith.constant 0 : i32
        %lt3A_368 = arith.cmpi slt, %select_n3A_361, %lt3A_367 : i32
        %ne3A_369 = arith.xori %lt3A_366, %lt3A_368 : i1
        %and3A_370 = arith.andi %ne3A_369, %ne3A_364 : i1
        %add3A_371 = arith.addi %rem3A_362, %select_n3A_361 : i32
        %select_n3A_372 = arith.select %and3A_370, %add3A_371, %rem3A_362 : i32
        %mul3A_373 = arith.constant 2 : i32
        %mul3A_374 = arith.muli %select_n3A_372, %mul3A_373 : i32
        %add3A_375 = arith.addi %mul3A_356, %mul3A_374 : i32
        %dma_wait3A_376 = arith.constant 0 : i32
        %dma_wait3A_377 = arith.constant 0 : i32
        %dma_wait3A_378 = arith.constant 0 : i32
        %dma_wait3A_379 = tpu.memref_slice %arg4[%select_n3A_354, %dma_wait3A_376, %add3A_375, %dma_wait3A_377, %dma_wait3A_378] : memref<50x8x128x8x128xf32, #tpu.memory_space<hbm>> -> memref<1x8x2x8x128xf32, #tpu.memory_space<hbm>>
        %dma_wait3A_380 = tpu.memref_squeeze %dma_wait3A_379 : memref<1x8x2x8x128xf32, #tpu.memory_space<hbm>> -> memref<8x2x8x128xf32, #tpu.memory_space<hbm>>
        %dma_wait3A_381 = arith.constant 0 : i32
        %dma_wait3A_382 = arith.constant 0 : i32
        %dma_wait3A_383 = arith.constant 0 : i32
        %dma_wait3A_384 = tpu.memref_slice %arg4[%select_n3A_354, %dma_wait3A_381, %add3A_375, %dma_wait3A_382, %dma_wait3A_383] : memref<50x8x128x8x128xf32, #tpu.memory_space<hbm>> -> memref<1x8x2x8x128xf32, #tpu.memory_space<hbm>>
        %dma_wait3A_385 = tpu.memref_squeeze %dma_wait3A_384 : memref<1x8x2x8x128xf32, #tpu.memory_space<hbm>> -> memref<8x2x8x128xf32, #tpu.memory_space<hbm>>
        tpu.wait_dma2 semaphore(%arg14 : memref<!tpu.dma_semaphore, #tpu.memory_space<semaphore_mem>>) src(%arg9 : memref<8x2x8x128xf32, #tpu.memory_space<vmem>>) dst(%dma_wait3A_385 : memref<8x2x8x128xf32, #tpu.memory_space<hbm>>)
      } else {
      }
      %parallel_loop3A_266 = arith.constant 0 : i32
      %parallel_loop3A_267 = arith.constant 64 : i32
      %parallel_loop3A_268 = arith.constant 1 : i32
      scf.for %parallel_loop3A_329 = %parallel_loop3A_266 to %parallel_loop3A_267 step %parallel_loop3A_268  : i32 {
        %parallel_loop3A_330 = arith.constant 3 : i32
        %parallel_loop3A_331 = arith.shrsi %parallel_loop3A_329, %parallel_loop3A_330 : i32
        %parallel_loop3A_332 = arith.constant 7 : i32
        %parallel_loop3A_333 = arith.andi %parallel_loop3A_329, %parallel_loop3A_332 : i32
        %parallel_loop3A_334 = vector.broadcast %parallel_loop3A_329 : i32 to vector<16xi32>
        %parallel_loop3A_335 = tpu.vector_load_idx %arg7[%add3A_5, %parallel_loop3A_334] : memref<256x64xf32, #tpu.memory_space<vmem>>[vector<16xi32>, vector<16xi32>], vector<16xf32>,
        %parallel_loop3A_336 = arith.constant 0 : i32
        %parallel_loop3A_337 = arith.index_cast %parallel_loop3A_331 : i32 to index
        %parallel_loop3A_338 = arith.index_cast %parallel_loop3A_336 : i32 to index
        %parallel_loop3A_339 = arith.index_cast %parallel_loop3A_333 : i32 to index
        %parallel_loop3A_340 = arith.constant 0 : index
        %parallel_loop3A_341 = tpu.vector_load %arg9[%parallel_loop3A_337, %parallel_loop3A_338, %parallel_loop3A_339, %parallel_loop3A_340] {strides = array<i32>} : memref<8x2x8x128xf32, #tpu.memory_space<vmem>>, vector<16xf32>,
        tpu.vector_store %arg9[%parallel_loop3A_337, %parallel_loop3A_338, %parallel_loop3A_339, %parallel_loop3A_340], %parallel_loop3A_335 {strides = array<i32>} : memref<8x2x8x128xf32, #tpu.memory_space<vmem>>, vector<16xf32>,
        %parallel_loop3A_342 = tpu.vector_load_idx %arg7[%add3A_8, %parallel_loop3A_334] : memref<256x64xf32, #tpu.memory_space<vmem>>[vector<16xi32>, vector<16xi32>], vector<16xf32>,
        %parallel_loop3A_343 = arith.constant 0 : i32
        %parallel_loop3A_344 = arith.index_cast %parallel_loop3A_331 : i32 to index
        %parallel_loop3A_345 = arith.index_cast %parallel_loop3A_343 : i32 to index
        %parallel_loop3A_346 = arith.index_cast %parallel_loop3A_333 : i32 to index
        %parallel_loop3A_347 = arith.constant 16 : index
        %parallel_loop3A_348 = tpu.vector_load %arg9[%parallel_loop3A_344, %parallel_loop3A_345, %parallel_loop3A_346, %parallel_loop3A_347] {strides = array<i32>} : memref<8x2x8x128xf32, #tpu.memory_space<vmem>>, vector<16xf32>,
        tpu.vector_store %arg9[%parallel_loop3A_344, %parallel_loop3A_345, %parallel_loop3A_346, %parallel_loop3A_347], %parallel_loop3A_342 {strides = array<i32>} : memref<8x2x8x128xf32, #tpu.memory_space<vmem>>, vector<16xf32>,
        %parallel_loop3A_349 = tpu.vector_load_idx %arg7[%add3A_11, %parallel_loop3A_334] : memref<256x64xf32, #tpu.memory_space<vmem>>[vector<16xi32>, vector<16xi32>], vector<16xf32>,
        %parallel_loop3A_350 = arith.constant 0 : i32
        %parallel_loop3A_351 = arith.index_cast %parallel_loop3A_331 : i32 to index
        %parallel_loop3A_352 = arith.index_cast %parallel_loop3A_350 : i32 to index
        %parallel_loop3A_353 = arith.index_cast %parallel_loop3A_333 : i32 to index
        %parallel_loop3A_354 = arith.constant 32 : index
        %parallel_loop3A_355 = tpu.vector_load %arg9[%parallel_loop3A_351, %parallel_loop3A_352, %parallel_loop3A_353, %parallel_loop3A_354] {strides = array<i32>} : memref<8x2x8x128xf32, #tpu.memory_space<vmem>>, vector<16xf32>,
        tpu.vector_store %arg9[%parallel_loop3A_351, %parallel_loop3A_352, %parallel_loop3A_353, %parallel_loop3A_354], %parallel_loop3A_349 {strides = array<i32>} : memref<8x2x8x128xf32, #tpu.memory_space<vmem>>, vector<16xf32>,
        %parallel_loop3A_356 = tpu.vector_load_idx %arg7[%add3A_14, %parallel_loop3A_334] : memref<256x64xf32, #tpu.memory_space<vmem>>[vector<16xi32>, vector<16xi32>], vector<16xf32>,
        %parallel_loop3A_357 = arith.constant 0 : i32
        %parallel_loop3A_358 = arith.index_cast %parallel_loop3A_331 : i32 to index
        %parallel_loop3A_359 = arith.index_cast %parallel_loop3A_357 : i32 to index
        %parallel_loop3A_360 = arith.index_cast %parallel_loop3A_333 : i32 to index
        %parallel_loop3A_361 = arith.constant 48 : index
        %parallel_loop3A_362 = tpu.vector_load %arg9[%parallel_loop3A_358, %parallel_loop3A_359, %parallel_loop3A_360, %parallel_loop3A_361] {strides = array<i32>} : memref<8x2x8x128xf32, #tpu.memory_space<vmem>>, vector<16xf32>,
        tpu.vector_store %arg9[%parallel_loop3A_358, %parallel_loop3A_359, %parallel_loop3A_360, %parallel_loop3A_361], %parallel_loop3A_356 {strides = array<i32>} : memref<8x2x8x128xf32, #tpu.memory_space<vmem>>, vector<16xf32>,
        %parallel_loop3A_363 = tpu.vector_load_idx %arg7[%add3A_17, %parallel_loop3A_334] : memref<256x64xf32, #tpu.memory_space<vmem>>[vector<16xi32>, vector<16xi32>], vector<16xf32>,
        %parallel_loop3A_364 = arith.constant 0 : i32
        %parallel_loop3A_365 = arith.index_cast %parallel_loop3A_331 : i32 to index
        %parallel_loop3A_366 = arith.index_cast %parallel_loop3A_364 : i32 to index
        %parallel_loop3A_367 = arith.index_cast %parallel_loop3A_333 : i32 to index
        %parallel_loop3A_368 = arith.constant 64 : index
        %parallel_loop3A_369 = tpu.vector_load %arg9[%parallel_loop3A_365, %parallel_loop3A_366, %parallel_loop3A_367, %parallel_loop3A_368] {strides = array<i32>} : memref<8x2x8x128xf32, #tpu.memory_space<vmem>>, vector<16xf32>,
        tpu.vector_store %arg9[%parallel_loop3A_365, %parallel_loop3A_366, %parallel_loop3A_367, %parallel_loop3A_368], %parallel_loop3A_363 {strides = array<i32>} : memref<8x2x8x128xf32, #tpu.memory_space<vmem>>, vector<16xf32>,
        %parallel_loop3A_370 = tpu.vector_load_idx %arg7[%add3A_20, %parallel_loop3A_334] : memref<256x64xf32, #tpu.memory_space<vmem>>[vector<16xi32>, vector<16xi32>], vector<16xf32>,
        %parallel_loop3A_371 = arith.constant 0 : i32
        %parallel_loop3A_372 = arith.index_cast %parallel_loop3A_331 : i32 to index
        %parallel_loop3A_373 = arith.index_cast %parallel_loop3A_371 : i32 to index
        %parallel_loop3A_374 = arith.index_cast %parallel_loop3A_333 : i32 to index
        %parallel_loop3A_375 = arith.constant 80 : index
        %parallel_loop3A_376 = tpu.vector_load %arg9[%parallel_loop3A_372, %parallel_loop3A_373, %parallel_loop3A_374, %parallel_loop3A_375] {strides = array<i32>} : memref<8x2x8x128xf32, #tpu.memory_space<vmem>>, vector<16xf32>,
        tpu.vector_store %arg9[%parallel_loop3A_372, %parallel_loop3A_373, %parallel_loop3A_374, %parallel_loop3A_375], %parallel_loop3A_370 {strides = array<i32>} : memref<8x2x8x128xf32, #tpu.memory_space<vmem>>, vector<16xf32>,
        %parallel_loop3A_377 = tpu.vector_load_idx %arg7[%add3A_23, %parallel_loop3A_334] : memref<256x64xf32, #tpu.memory_space<vmem>>[vector<16xi32>, vector<16xi32>], vector<16xf32>,
        %parallel_loop3A_378 = arith.constant 0 : i32
        %parallel_loop3A_379 = arith.index_cast %parallel_loop3A_331 : i32 to index
        %parallel_loop3A_380 = arith.index_cast %parallel_loop3A_378 : i32 to index
        %parallel_loop3A_381 = arith.index_cast %parallel_loop3A_333 : i32 to index
        %parallel_loop3A_382 = arith.constant 96 : index
        %parallel_loop3A_383 = tpu.vector_load %arg9[%parallel_loop3A_379, %parallel_loop3A_380, %parallel_loop3A_381, %parallel_loop3A_382] {strides = array<i32>} : memref<8x2x8x128xf32, #tpu.memory_space<vmem>>, vector<16xf32>,
        tpu.vector_store %arg9[%parallel_loop3A_379, %parallel_loop3A_380, %parallel_loop3A_381, %parallel_loop3A_382], %parallel_loop3A_377 {strides = array<i32>} : memref<8x2x8x128xf32, #tpu.memory_space<vmem>>, vector<16xf32>,
        %parallel_loop3A_384 = tpu.vector_load_idx %arg7[%add3A_26, %parallel_loop3A_334] : memref<256x64xf32, #tpu.memory_space<vmem>>[vector<16xi32>, vector<16xi32>], vector<16xf32>,
        %parallel_loop3A_385 = arith.constant 0 : i32
        %parallel_loop3A_386 = arith.index_cast %parallel_loop3A_331 : i32 to index
        %parallel_loop3A_387 = arith.index_cast %parallel_loop3A_385 : i32 to index
        %parallel_loop3A_388 = arith.index_cast %parallel_loop3A_333 : i32 to index
        %parallel_loop3A_389 = arith.constant 112 : index
        %parallel_loop3A_390 = tpu.vector_load %arg9[%parallel_loop3A_386, %parallel_loop3A_387, %parallel_loop3A_388, %parallel_loop3A_389] {strides = array<i32>} : memref<8x2x8x128xf32, #tpu.memory_space<vmem>>, vector<16xf32>,
        tpu.vector_store %arg9[%parallel_loop3A_386, %parallel_loop3A_387, %parallel_loop3A_388, %parallel_loop3A_389], %parallel_loop3A_384 {strides = array<i32>} : memref<8x2x8x128xf32, #tpu.memory_space<vmem>>, vector<16xf32>,
        %parallel_loop3A_391 = tpu.vector_load_idx %arg7[%add3A_29, %parallel_loop3A_334] : memref<256x64xf32, #tpu.memory_space<vmem>>[vector<16xi32>, vector<16xi32>], vector<16xf32>,
        %parallel_loop3A_392 = arith.constant 1 : i32
        %parallel_loop3A_393 = arith.index_cast %parallel_loop3A_331 : i32 to index
        %parallel_loop3A_394 = arith.index_cast %parallel_loop3A_392 : i32 to index
        %parallel_loop3A_395 = arith.index_cast %parallel_loop3A_333 : i32 to index
        %parallel_loop3A_396 = arith.constant 0 : index
        %parallel_loop3A_397 = tpu.vector_load %arg9[%parallel_loop3A_393, %parallel_loop3A_394, %parallel_loop3A_395, %parallel_loop3A_396] {strides = array<i32>} : memref<8x2x8x128xf32, #tpu.memory_space<vmem>>, vector<16xf32>,
        tpu.vector_store %arg9[%parallel_loop3A_393, %parallel_loop3A_394, %parallel_loop3A_395, %parallel_loop3A_396], %parallel_loop3A_391 {strides = array<i32>} : memref<8x2x8x128xf32, #tpu.memory_space<vmem>>, vector<16xf32>,
        %parallel_loop3A_398 = tpu.vector_load_idx %arg7[%add3A_32, %parallel_loop3A_334] : memref<256x64xf32, #tpu.memory_space<vmem>>[vector<16xi32>, vector<16xi32>], vector<16xf32>,
        %parallel_loop3A_399 = arith.constant 1 : i32
        %parallel_loop3A_400 = arith.index_cast %parallel_loop3A_331 : i32 to index
        %parallel_loop3A_401 = arith.index_cast %parallel_loop3A_399 : i32 to index
        %parallel_loop3A_402 = arith.index_cast %parallel_loop3A_333 : i32 to index
        %parallel_loop3A_403 = arith.constant 16 : index
        %parallel_loop3A_404 = tpu.vector_load %arg9[%parallel_loop3A_400, %parallel_loop3A_401, %parallel_loop3A_402, %parallel_loop3A_403] {strides = array<i32>} : memref<8x2x8x128xf32, #tpu.memory_space<vmem>>, vector<16xf32>,
        tpu.vector_store %arg9[%parallel_loop3A_400, %parallel_loop3A_401, %parallel_loop3A_402, %parallel_loop3A_403], %parallel_loop3A_398 {strides = array<i32>} : memref<8x2x8x128xf32, #tpu.memory_space<vmem>>, vector<16xf32>,
        %parallel_loop3A_405 = tpu.vector_load_idx %arg7[%add3A_35, %parallel_loop3A_334] : memref<256x64xf32, #tpu.memory_space<vmem>>[vector<16xi32>, vector<16xi32>], vector<16xf32>,
        %parallel_loop3A_406 = arith.constant 1 : i32
        %parallel_loop3A_407 = arith.index_cast %parallel_loop3A_331 : i32 to index
        %parallel_loop3A_408 = arith.index_cast %parallel_loop3A_406 : i32 to index
        %parallel_loop3A_409 = arith.index_cast %parallel_loop3A_333 : i32 to index
        %parallel_loop3A_410 = arith.constant 32 : index
        %parallel_loop3A_411 = tpu.vector_load %arg9[%parallel_loop3A_407, %parallel_loop3A_408, %parallel_loop3A_409, %parallel_loop3A_410] {strides = array<i32>} : memref<8x2x8x128xf32, #tpu.memory_space<vmem>>, vector<16xf32>,
        tpu.vector_store %arg9[%parallel_loop3A_407, %parallel_loop3A_408, %parallel_loop3A_409, %parallel_loop3A_410], %parallel_loop3A_405 {strides = array<i32>} : memref<8x2x8x128xf32, #tpu.memory_space<vmem>>, vector<16xf32>,
        %parallel_loop3A_412 = tpu.vector_load_idx %arg7[%add3A_38, %parallel_loop3A_334] : memref<256x64xf32, #tpu.memory_space<vmem>>[vector<16xi32>, vector<16xi32>], vector<16xf32>,
        %parallel_loop3A_413 = arith.constant 1 : i32
        %parallel_loop3A_414 = arith.index_cast %parallel_loop3A_331 : i32 to index
        %parallel_loop3A_415 = arith.index_cast %parallel_loop3A_413 : i32 to index
        %parallel_loop3A_416 = arith.index_cast %parallel_loop3A_333 : i32 to index
        %parallel_loop3A_417 = arith.constant 48 : index
        %parallel_loop3A_418 = tpu.vector_load %arg9[%parallel_loop3A_414, %parallel_loop3A_415, %parallel_loop3A_416, %parallel_loop3A_417] {strides = array<i32>} : memref<8x2x8x128xf32, #tpu.memory_space<vmem>>, vector<16xf32>,
        tpu.vector_store %arg9[%parallel_loop3A_414, %parallel_loop3A_415, %parallel_loop3A_416, %parallel_loop3A_417], %parallel_loop3A_412 {strides = array<i32>} : memref<8x2x8x128xf32, #tpu.memory_space<vmem>>, vector<16xf32>,
        %parallel_loop3A_419 = tpu.vector_load_idx %arg7[%add3A_41, %parallel_loop3A_334] : memref<256x64xf32, #tpu.memory_space<vmem>>[vector<16xi32>, vector<16xi32>], vector<16xf32>,
        %parallel_loop3A_420 = arith.constant 1 : i32
        %parallel_loop3A_421 = arith.index_cast %parallel_loop3A_331 : i32 to index
        %parallel_loop3A_422 = arith.index_cast %parallel_loop3A_420 : i32 to index
        %parallel_loop3A_423 = arith.index_cast %parallel_loop3A_333 : i32 to index
        %parallel_loop3A_424 = arith.constant 64 : index
        %parallel_loop3A_425 = tpu.vector_load %arg9[%parallel_loop3A_421, %parallel_loop3A_422, %parallel_loop3A_423, %parallel_loop3A_424] {strides = array<i32>} : memref<8x2x8x128xf32, #tpu.memory_space<vmem>>, vector<16xf32>,
        tpu.vector_store %arg9[%parallel_loop3A_421, %parallel_loop3A_422, %parallel_loop3A_423, %parallel_loop3A_424], %parallel_loop3A_419 {strides = array<i32>} : memref<8x2x8x128xf32, #tpu.memory_space<vmem>>, vector<16xf32>,
        %parallel_loop3A_426 = tpu.vector_load_idx %arg7[%add3A_44, %parallel_loop3A_334] : memref<256x64xf32, #tpu.memory_space<vmem>>[vector<16xi32>, vector<16xi32>], vector<16xf32>,
        %parallel_loop3A_427 = arith.constant 1 : i32
        %parallel_loop3A_428 = arith.index_cast %parallel_loop3A_331 : i32 to index
        %parallel_loop3A_429 = arith.index_cast %parallel_loop3A_427 : i32 to index
        %parallel_loop3A_430 = arith.index_cast %parallel_loop3A_333 : i32 to index
        %parallel_loop3A_431 = arith.constant 80 : index
        %parallel_loop3A_432 = tpu.vector_load %arg9[%parallel_loop3A_428, %parallel_loop3A_429, %parallel_loop3A_430, %parallel_loop3A_431] {strides = array<i32>} : memref<8x2x8x128xf32, #tpu.memory_space<vmem>>, vector<16xf32>,
        tpu.vector_store %arg9[%parallel_loop3A_428, %parallel_loop3A_429, %parallel_loop3A_430, %parallel_loop3A_431], %parallel_loop3A_426 {strides = array<i32>} : memref<8x2x8x128xf32, #tpu.memory_space<vmem>>, vector<16xf32>,
        %parallel_loop3A_433 = tpu.vector_load_idx %arg7[%add3A_47, %parallel_loop3A_334] : memref<256x64xf32, #tpu.memory_space<vmem>>[vector<16xi32>, vector<16xi32>], vector<16xf32>,
        %parallel_loop3A_434 = arith.constant 1 : i32
        %parallel_loop3A_435 = arith.index_cast %parallel_loop3A_331 : i32 to index
        %parallel_loop3A_436 = arith.index_cast %parallel_loop3A_434 : i32 to index
        %parallel_loop3A_437 = arith.index_cast %parallel_loop3A_333 : i32 to index
        %parallel_loop3A_438 = arith.constant 96 : index
        %parallel_loop3A_439 = tpu.vector_load %arg9[%parallel_loop3A_435, %parallel_loop3A_436, %parallel_loop3A_437, %parallel_loop3A_438] {strides = array<i32>} : memref<8x2x8x128xf32, #tpu.memory_space<vmem>>, vector<16xf32>,
        tpu.vector_store %arg9[%parallel_loop3A_435, %parallel_loop3A_436, %parallel_loop3A_437, %parallel_loop3A_438], %parallel_loop3A_433 {strides = array<i32>} : memref<8x2x8x128xf32, #tpu.memory_space<vmem>>, vector<16xf32>,
        %parallel_loop3A_440 = tpu.vector_load_idx %arg7[%add3A_50, %parallel_loop3A_334] : memref<256x64xf32, #tpu.memory_space<vmem>>[vector<16xi32>, vector<16xi32>], vector<16xf32>,
        %parallel_loop3A_441 = arith.constant 1 : i32
        %parallel_loop3A_442 = arith.index_cast %parallel_loop3A_331 : i32 to index
        %parallel_loop3A_443 = arith.index_cast %parallel_loop3A_441 : i32 to index
        %parallel_loop3A_444 = arith.index_cast %parallel_loop3A_333 : i32 to index
        %parallel_loop3A_445 = arith.constant 112 : index
        %parallel_loop3A_446 = tpu.vector_load %arg9[%parallel_loop3A_442, %parallel_loop3A_443, %parallel_loop3A_444, %parallel_loop3A_445] {strides = array<i32>} : memref<8x2x8x128xf32, #tpu.memory_space<vmem>>, vector<16xf32>,
        tpu.vector_store %arg9[%parallel_loop3A_442, %parallel_loop3A_443, %parallel_loop3A_444, %parallel_loop3A_445], %parallel_loop3A_440 {strides = array<i32>} : memref<8x2x8x128xf32, #tpu.memory_space<vmem>>, vector<16xf32>,
      } {sc.loop_unroll_factor = 4 : i64, sc.parallel_access}
      %lt3A_269 = arith.constant 49 : i32
      %lt3A_270 = arith.cmpi slt, %scan3A_106, %lt3A_269 : i32
      %convert_element_type3A_271 = arith.extui %lt3A_270 : i1 to i32
      %cond3A_272 = arith.constant 0 : i32
      %cond3A_273 = arith.cmpi ne, %convert_element_type3A_271, %cond3A_272 : i32
      scf.if %cond3A_273 {
        %add3A_329 = arith.constant 2 : i32
        %add3A_330 = arith.addi %add3A_213, %add3A_329 : i32
        %jit3A_331 = arith.constant 2 : i32
        %div3A_332 = arith.divsi %add3A_330, %jit3A_331 : i32
        %sign3A_333 = arith.constant 0 : i32
        %sign3A_334 = arith.cmpi sgt, %add3A_330, %sign3A_333 : i32
        %sign3A_335 = arith.extui %sign3A_334 : i1 to i32
        %sign3A_336 = arith.constant 0 : i32
        %sign3A_337 = arith.cmpi slt, %add3A_330, %sign3A_336 : i32
        %sign3A_338 = arith.extui %sign3A_337 : i1 to i32
        %sign3A_339 = arith.subi %sign3A_335, %sign3A_338 : i32
        %sign3A_340 = arith.constant 0 : i32
        %sign3A_341 = arith.cmpi sgt, %jit3A_331, %sign3A_340 : i32
        %sign3A_342 = arith.extui %sign3A_341 : i1 to i32
        %sign3A_343 = arith.constant 0 : i32
        %sign3A_344 = arith.cmpi slt, %jit3A_331, %sign3A_343 : i32
        %sign3A_345 = arith.extui %sign3A_344 : i1 to i32
        %sign3A_346 = arith.subi %sign3A_342, %sign3A_345 : i32
        %ne3A_347 = arith.cmpi ne, %sign3A_339, %sign3A_346 : i32
        %rem3A_348 = arith.remsi %add3A_330, %jit3A_331 : i32
        %ne3A_349 = arith.constant 0 : i32
        %ne3A_350 = arith.cmpi ne, %rem3A_348, %ne3A_349 : i32
        %and3A_351 = arith.andi %ne3A_347, %ne3A_350 : i1
        %sub3A_352 = arith.constant 1 : i32
        %sub3A_353 = arith.subi %div3A_332, %sub3A_352 : i32
        %select_n3A_354 = arith.select %and3A_351, %sub3A_353, %div3A_332 : i32
        %jit3A_355 = arith.constant 2 : i32
        %eq3A_356 = arith.constant 0 : i32
        %eq3A_357 = arith.cmpi eq, %jit3A_355, %eq3A_356 : i32
        %jit3A_358 = arith.constant 1 : i32
        %select_n3A_359 = arith.select %eq3A_357, %jit3A_358, %jit3A_355 : i32
        %rem3A_360 = arith.remsi %add3A_330, %select_n3A_359 : i32
        %ne3A_361 = arith.constant 0 : i32
        %ne3A_362 = arith.cmpi ne, %rem3A_360, %ne3A_361 : i32
        %lt3A_363 = arith.constant 0 : i32
        %lt3A_364 = arith.cmpi slt, %rem3A_360, %lt3A_363 : i32
        %lt3A_365 = arith.constant 0 : i32
        %lt3A_366 = arith.cmpi slt, %select_n3A_359, %lt3A_365 : i32
        %ne3A_367 = arith.xori %lt3A_364, %lt3A_366 : i1
        %and3A_368 = arith.andi %ne3A_367, %ne3A_362 : i1
        %add3A_369 = arith.addi %rem3A_360, %select_n3A_359 : i32
        %select_n3A_370 = arith.select %and3A_368, %add3A_369, %rem3A_360 : i32
        %mul3A_371 = arith.constant 256 : i32
        %mul3A_372 = arith.muli %select_n3A_370, %mul3A_371 : i32
        %dma_start3A_373 = tpu.memref_slice %arg5[%select_n3A_354, %mul3A_372] : memref<50x512xi32, #tpu.memory_space<vmem>> -> memref<1x256xi32, #tpu.memory_space<vmem>>
        %dma_start3A_374 = tpu.memref_squeeze %dma_start3A_373 : memref<1x256xi32, #tpu.memory_space<vmem>> -> memref<256xi32, #tpu.memory_space<vmem>>
        %dma_start3A_375 = arith.constant 0 : i32
        %dma_start3A_376 = arith.constant 0 : i32
        %dma_start3A_377 = tpu.memref_slice %arg3[%dma_start3A_375, %dma_start3A_376] : memref<100002x64xf32, #tpu.memory_space<hbm>> -> memref<100002x64xf32, #tpu.memory_space<hbm>>
        tpu.enqueue_indirect_dma source(%dma_start3A_377 : memref<100002x64xf32, #tpu.memory_space<hbm>>) target(%arg7 : memref<256x64xf32, #tpu.memory_space<vmem>>) offsets(%dma_start3A_374 : memref<256xi32, #tpu.memory_space<vmem>>) semaphore(%arg12 : memref<!tpu.dma_semaphore, #tpu.memory_space<semaphore_mem>>)
      } else {
      }
      %jit3A_274 = arith.constant 2 : i32
      %div3A_275 = arith.divsi %add3A_213, %jit3A_274 : i32
      %sign3A_276 = arith.constant 0 : i32
      %sign3A_277 = arith.cmpi sgt, %add3A_213, %sign3A_276 : i32
      %sign3A_278 = arith.extui %sign3A_277 : i1 to i32
      %sign3A_279 = arith.constant 0 : i32
      %sign3A_280 = arith.cmpi slt, %add3A_213, %sign3A_279 : i32
      %sign3A_281 = arith.extui %sign3A_280 : i1 to i32
      %sign3A_282 = arith.subi %sign3A_278, %sign3A_281 : i32
      %sign3A_283 = arith.constant 0 : i32
      %sign3A_284 = arith.cmpi sgt, %jit3A_274, %sign3A_283 : i32
      %sign3A_285 = arith.extui %sign3A_284 : i1 to i32
      %sign3A_286 = arith.constant 0 : i32
      %sign3A_287 = arith.cmpi slt, %jit3A_274, %sign3A_286 : i32
      %sign3A_288 = arith.extui %sign3A_287 : i1 to i32
      %sign3A_289 = arith.subi %sign3A_285, %sign3A_288 : i32
      %ne3A_290 = arith.cmpi ne, %sign3A_282, %sign3A_289 : i32
      %rem3A_291 = arith.remsi %add3A_213, %jit3A_274 : i32
      %ne3A_292 = arith.constant 0 : i32
      %ne3A_293 = arith.cmpi ne, %rem3A_291, %ne3A_292 : i32
      %and3A_294 = arith.andi %ne3A_290, %ne3A_293 : i1
      %sub3A_295 = arith.constant 1 : i32
      %sub3A_296 = arith.subi %div3A_275, %sub3A_295 : i32
      %select_n3A_297 = arith.select %and3A_294, %sub3A_296, %div3A_275 : i32
      %mul3A_298 = arith.constant 4 : i32
      %mul3A_299 = arith.muli %add3A, %mul3A_298 : i32
      %jit3A_300 = arith.constant 2 : i32
      %eq3A_301 = arith.constant 0 : i32
      %eq3A_302 = arith.cmpi eq, %jit3A_300, %eq3A_301 : i32
      %jit3A_303 = arith.constant 1 : i32
      %select_n3A_304 = arith.select %eq3A_302, %jit3A_303, %jit3A_300 : i32
      %rem3A_305 = arith.remsi %add3A_213, %select_n3A_304 : i32
      %ne3A_306 = arith.constant 0 : i32
      %ne3A_307 = arith.cmpi ne, %rem3A_305, %ne3A_306 : i32
      %lt3A_308 = arith.constant 0 : i32
      %lt3A_309 = arith.cmpi slt, %rem3A_305, %lt3A_308 : i32
      %lt3A_310 = arith.constant 0 : i32
      %lt3A_311 = arith.cmpi slt, %select_n3A_304, %lt3A_310 : i32
      %ne3A_312 = arith.xori %lt3A_309, %lt3A_311 : i1
      %and3A_313 = arith.andi %ne3A_312, %ne3A_307 : i1
      %add3A_314 = arith.addi %rem3A_305, %select_n3A_304 : i32
      %select_n3A_315 = arith.select %and3A_313, %add3A_314, %rem3A_305 : i32
      %mul3A_316 = arith.constant 2 : i32
      %mul3A_317 = arith.muli %select_n3A_315, %mul3A_316 : i32
      %add3A_318 = arith.addi %mul3A_299, %mul3A_317 : i32
      %dma_start3A_319 = arith.constant 0 : i32
      %dma_start3A_320 = arith.constant 0 : i32
      %dma_start3A_321 = arith.constant 0 : i32
      %dma_start3A_322 = tpu.memref_slice %arg4[%select_n3A_297, %dma_start3A_319, %add3A_318, %dma_start3A_320, %dma_start3A_321] : memref<50x8x128x8x128xf32, #tpu.memory_space<hbm>> -> memref<1x8x2x8x128xf32, #tpu.memory_space<hbm>>
      %dma_start3A_323 = tpu.memref_squeeze %dma_start3A_322 : memref<1x8x2x8x128xf32, #tpu.memory_space<hbm>> -> memref<8x2x8x128xf32, #tpu.memory_space<hbm>>
      %dma_start3A_324 = arith.constant 0 : i32
      %dma_start3A_325 = arith.constant 0 : i32
      %dma_start3A_326 = arith.constant 0 : i32
      %dma_start3A_327 = tpu.memref_slice %arg4[%select_n3A_297, %dma_start3A_324, %add3A_318, %dma_start3A_325, %dma_start3A_326] : memref<50x8x128x8x128xf32, #tpu.memory_space<hbm>> -> memref<1x8x2x8x128xf32, #tpu.memory_space<hbm>>
      %dma_start3A_328 = tpu.memref_squeeze %dma_start3A_327 : memref<1x8x2x8x128xf32, #tpu.memory_space<hbm>> -> memref<8x2x8x128xf32, #tpu.memory_space<hbm>>
      tpu.enqueue_dma source(%arg9 : memref<8x2x8x128xf32, #tpu.memory_space<vmem>>) target(%dma_start3A_328 : memref<8x2x8x128xf32, #tpu.memory_space<hbm>>) target_semaphore(%arg14 : memref<!tpu.dma_semaphore, #tpu.memory_space<semaphore_mem>>)
    }
    %scan3A_75 = arith.constant 50 : i32
    %mul3A_76 = arith.constant 4 : i32
    %mul3A_77 = arith.muli %add3A, %mul3A_76 : i32
    %add3A_78 = arith.constant 0 : i32
    %add3A_79 = arith.addi %mul3A_77, %add3A_78 : i32
    %dma_wait3A_80 = arith.constant 49 : i32
    %dma_wait3A_81 = arith.constant 0 : i32
    %dma_wait3A_82 = arith.constant 0 : i32
    %dma_wait3A_83 = arith.constant 0 : i32
    %dma_wait3A_84 = tpu.memref_slice %arg4[%dma_wait3A_80, %dma_wait3A_81, %add3A_79, %dma_wait3A_82, %dma_wait3A_83] : memref<50x8x128x8x128xf32, #tpu.memory_space<hbm>> -> memref<1x8x2x8x128xf32, #tpu.memory_space<hbm>>
    %dma_wait3A_85 = tpu.memref_squeeze %dma_wait3A_84 : memref<1x8x2x8x128xf32, #tpu.memory_space<hbm>> -> memref<8x2x8x128xf32, #tpu.memory_space<hbm>>
    %dma_wait3A_86 = arith.constant 0 : i32
    %dma_wait3A_87 = arith.constant 0 : i32
    %dma_wait3A_88 = arith.constant 0 : i32
    %dma_wait3A_89 = tpu.memref_slice %arg4[%dma_wait3A_80, %dma_wait3A_86, %add3A_79, %dma_wait3A_87, %dma_wait3A_88] : memref<50x8x128x8x128xf32, #tpu.memory_space<hbm>> -> memref<1x8x2x8x128xf32, #tpu.memory_space<hbm>>
    %dma_wait3A_90 = tpu.memref_squeeze %dma_wait3A_89 : memref<1x8x2x8x128xf32, #tpu.memory_space<hbm>> -> memref<8x2x8x128xf32, #tpu.memory_space<hbm>>
    tpu.wait_dma2 semaphore(%arg13 : memref<!tpu.dma_semaphore, #tpu.memory_space<semaphore_mem>>) src(%arg8 : memref<8x2x8x128xf32, #tpu.memory_space<vmem>>) dst(%dma_wait3A_90 : memref<8x2x8x128xf32, #tpu.memory_space<hbm>>)
    %mul3A_91 = arith.constant 4 : i32
    %mul3A_92 = arith.muli %add3A, %mul3A_91 : i32
    %add3A_93 = arith.constant 2 : i32
    %add3A_94 = arith.addi %mul3A_92, %add3A_93 : i32
    %dma_wait3A_95 = arith.constant 49 : i32
    %dma_wait3A_96 = arith.constant 0 : i32
    %dma_wait3A_97 = arith.constant 0 : i32
    %dma_wait3A_98 = arith.constant 0 : i32
    %dma_wait3A_99 = tpu.memref_slice %arg4[%dma_wait3A_95, %dma_wait3A_96, %add3A_94, %dma_wait3A_97, %dma_wait3A_98] : memref<50x8x128x8x128xf32, #tpu.memory_space<hbm>> -> memref<1x8x2x8x128xf32, #tpu.memory_space<hbm>>
    %dma_wait3A_100 = tpu.memref_squeeze %dma_wait3A_99 : memref<1x8x2x8x128xf32, #tpu.memory_space<hbm>> -> memref<8x2x8x128xf32, #tpu.memory_space<hbm>>
    %dma_wait3A_101 = arith.constant 0 : i32
    %dma_wait3A_102 = arith.constant 0 : i32
    %dma_wait3A_103 = arith.constant 0 : i32
    %dma_wait3A_104 = tpu.memref_slice %arg4[%dma_wait3A_95, %dma_wait3A_101, %add3A_94, %dma_wait3A_102, %dma_wait3A_103] : memref<50x8x128x8x128xf32, #tpu.memory_space<hbm>> -> memref<1x8x2x8x128xf32, #tpu.memory_space<hbm>>
    %dma_wait3A_105 = tpu.memref_squeeze %dma_wait3A_104 : memref<1x8x2x8x128xf32, #tpu.memory_space<hbm>> -> memref<8x2x8x128xf32, #tpu.memory_space<hbm>>
    tpu.wait_dma2 semaphore(%arg14 : memref<!tpu.dma_semaphore, #tpu.memory_space<semaphore_mem>>) src(%arg9 : memref<8x2x8x128xf32, #tpu.memory_space<vmem>>) dst(%dma_wait3A_105 : memref<8x2x8x128xf32, #tpu.memory_space<hbm>>)
    return
  }
}

</mosaic_0001>

<sc_bundles>
// kernel: kernel.3.cloned.1.call-start
scs
__scs_entry_jumppad:
0x0: {  	(pc) =	sbr.rel $0x88, $3  }
0x1: {  	(tag) =	ssettag $0x0;
	lr =	simm.s32 $0x1  }
0x2: {  	[smem:$0x3F9F] =	sst lr;
	_ =	strace $0xD0000000  }
0x3: {  	_ = 	snop  }
0x4: {  	_ = 	snop  }
0x5: {  	_ = 	snop  }
0x6: {  	_ = 	snop  }
0x7: {  	_ = 	snop  }
__scs_overlays_trampoline_lowered:
0x8: {  	[smem:$0x3FAE] =	sst s0  }
0x9: {  	[smem:$0x3FAF] =	sst s1  }
0xa: {  	[smem:$0x3FB0] =	sst s2  }
0xb: {  	[smem:$0x3FB1] =	sst s3  }
0xc: {  	[smem:$0x3FB2] =	sst s4  }
0xd: {  	[smem:$0x3FB3] =	sst s5  }
0xe: {  	[smem:$0x3FB4] =	sst s6  }
0xf: {  	[smem:$0x3FB5] =	sst s7  }
0x10: {  	[smem:$0x3FB6] =	sst s8  }
0x11: {  	[smem:$0x3FB7] =	sst s9;
	s0 =	simm.s32 @!p0 $0x0  }
0x12: {  	s1 =	sld [smem:$0x3F9D];
	s0 =	simm.s32 @p0 $0x1  }
0x13: {  	[smem:$0x3FB8] =	sst s0;
	s0 =	simm.s32 @!p1 $0x0  }
0x14: {  	s2 =	sld [smem:$0x3F9C];
	s0 =	simm.s32 @p1 $0x1  }
0x15: {  	[smem:$0x3FB9] =	sst s0;
	s0 =	simm.s32 @!p2 $0x0  }
0x16: {  	s3 =	sld [smem:$0x3FDB];
	s0 =	simm.s32 @p2 $0x1  }
0x17: {  	s4 =	simm.s32 $0x1BF5;
	[smem:$0x3FBB] =	sst s0  }
0x18: {  	s0 =	sld [smem:$0x3F9E];
	_ =	swait.ge [sflag:s4], $0x0  }
0x19: {  	s7 =	sld [smem:$0x3F9F]  }
0x1a: {  	s8 =	sadd.s32 $0xFFFFE003, lr  }
0x1b: {  	s9 =	sadd.s32 $0xFFFFFEF7, lr;
	s5 =	simm.s32 $0xFFFFFFFF;
	p2 =	slt.u32 s8, $0xFFFFF086  }
0x1c: {  	p1 =	slt.u32 s9, $0xF7A;
	s5 =	simm.s32 @!p2 $0x0  }
0x1d: {  	s5 =	simm.s32 @p1 $0x1;
	p0 =	seq.s32 s7, s2  }
0x1e: {  	s7 =	smul.u32 @!p0 $0xF7A, s2;
	p2 =	seq.s32 @!p0 s5, $0x0  }
0x1f: {  	s9 =	smul.u32 $0xF7A, s1;
	s8 =	simm.s32 @!p0 $0x1BF5;
	p2 =	por !p2, p0  }
0x20: {  	[sflag:s8] =	ssyncset.s32 @!p0 $0xFFFFF086;
	s6 =	sadd.s32 @!p0 s3, s7;
	s7 =	simm.s32 @!p0 $0x108  }
0x21: {  	s3 =	sadd.s32 s3, s9;
	s6 =	sadd.s32 @!p0 $0x88, s6;
	s7 =	simm.s32 @p2 $0x1082  }
0x22: {  	[simem:s7], [sflag:s8] =	dma.local @!p0 [hbm:s6], $0xF7A  }
0x23: {  	s9 =	sor.u32 $0xD0000000, s2;
	s6 =	simm.s32 $0x108;
	_ =	swait.ge @!p0 [sflag:s8], $0x0  }
0x24: {  	s3 =	sadd.s32 $0x88, s3;
	s6 =	simm.s32 @!p1 $0x1082;
	[sflag:s4] =	ssyncset.s32 $0xFFFFF086  }
0x25: {  	[simem:s6], [sflag:s4] =	dma.local [hbm:s3], $0xF7A  }
0x26: {  	[smem:$0x3F9F] =	sst s1;
	(tag) =	ssettag s2;
	_ =	strace s9  }
0x27: {  	s1 =	sld [smem:$0x3FAF]  }
0x28: {  	s2 =	sld [smem:$0x3FB0]  }
0x29: {  	s4 =	sld [smem:$0x3FB2]  }
0x2a: {  	p0 =	seq.s32 s5, $0x0;
	s5 =	sld [smem:$0x3FB3]  }
0x2b: {  	s6 =	sld [smem:$0x3FB4]  }
0x2c: {  	s7 =	sld [smem:$0x3FB5]  }
0x2d: {  	s3 =	simm.s32 $0x108;
	s8 =	sld [smem:$0x3FB6]  }
0x2e: {  	s3 =	simm.s32 @!p0 $0x1082;
	s9 =	sld [smem:$0x3FB7]  }
0x2f: {  	lr =	sadd.s32 s0, s3;
	s0 =	sld [smem:$0x3FAE]  }
0x30: {  	s3 =	sld [smem:$0x3FB1]  }
0x31: {  	[smem:$0x3FBA] =	sst s10  }
0x32: {  	s10 =	sld [smem:$0x3FB8];
	_ =	sdelay $0x3  }
0x33: {  	p0 =	seq.s32 s10, $0x1;
	s10 =	sld [smem:$0x3FBA];
	_ =	sdelay $0x3  }
0x34: {  	[smem:$0x3FBA] =	sst s10  }
0x35: {  	s10 =	sld [smem:$0x3FB9];
	_ =	sdelay $0x3  }
0x36: {  	p1 =	seq.s32 s10, $0x1;
	s10 =	sld [smem:$0x3FBA];
	_ =	sdelay $0x3  }
0x37: {  	[smem:$0x3FBA] =	sst s10  }
0x38: {  	s10 =	sld [smem:$0x3FBB]  }
0x39: {  	_ = 	snop;
	(pc) =	sbr.ind lr, $3  }
0x3a: {  	_ = 	snop  }
0x3b: {  	_ = 	snop  }
0x3c: {  	p2 =	seq.s32 s10, $0x1;
	s10 =	sld [smem:$0x3FBA]  }
0x3d: {  	_ =	shalt  }
0x3e: {  	_ =	shalt  }
0x3f: {  	_ =	shalt  }
0x40: {  	_ =	shalt  }
0x41: {  	_ =	shalt  }
0x42: {  	_ =	shalt  }
0x43: {  	_ =	shalt  }
0x44: {  	_ =	shalt  }
0x45: {  	_ =	shalt  }
0x46: {  	_ =	shalt  }
0x47: {  	_ =	shalt  }
0x48: {  	_ =	shalt  }
0x49: {  	_ =	shalt  }
0x4a: {  	_ =	shalt  }
0x4b: {  	_ =	shalt  }
0x4c: {  	_ =	shalt  }
0x4d: {  	_ =	shalt  }
0x4e: {  	_ =	shalt  }
0x4f: {  	_ =	shalt  }
0x50: {  	_ =	shalt  }
0x51: {  	_ =	shalt  }
0x52: {  	_ =	shalt  }
0x53: {  	_ =	shalt  }
0x54: {  	_ =	shalt  }
0x55: {  	_ =	shalt  }
0x56: {  	_ =	shalt  }
0x57: {  	_ =	shalt  }
0x58: {  	_ =	shalt  }
0x59: {  	_ =	shalt  }
0x5a: {  	_ =	shalt  }
0x5b: {  	_ =	shalt  }
0x5c: {  	_ =	shalt  }
0x5d: {  	_ =	shalt  }
0x5e: {  	_ =	shalt  }
0x5f: {  	_ =	shalt  }
0x60: {  	_ =	shalt  }
0x61: {  	_ =	shalt  }
0x62: {  	_ =	shalt  }
0x63: {  	_ =	shalt  }
0x64: {  	_ =	shalt  }
0x65: {  	_ =	shalt  }
0x66: {  	_ =	shalt  }
0x67: {  	_ =	shalt  }
0x68: {  	_ =	shalt  }
0x69: {  	_ =	shalt  }
0x6a: {  	_ =	shalt  }
0x6b: {  	_ =	shalt  }
0x6c: {  	_ =	shalt  }
0x6d: {  	_ =	shalt  }
0x6e: {  	_ =	shalt  }
0x6f: {  	_ =	shalt  }
0x70: {  	_ =	shalt  }
0x71: {  	_ =	shalt  }
0x72: {  	_ =	shalt  }
0x73: {  	_ =	shalt  }
0x74: {  	_ =	shalt  }
0x75: {  	_ =	shalt  }
0x76: {  	_ =	shalt  }
0x77: {  	_ =	shalt  }
0x78: {  	_ =	shalt  }
0x79: {  	_ =	shalt  }
0x7a: {  	_ =	shalt  }
0x7b: {  	_ =	shalt  }
0x7c: {  	_ =	shalt  }
0x7d: {  	_ =	shalt  }
0x7e: {  	_ =	shalt  }
0x7f: {  	_ =	shalt  }
0x80: {  	_ =	shalt  }
0x81: {  	_ =	shalt  }
0x82: {  	_ =	shalt  }
0x83: {  	_ =	shalt  }
0x84: {  	_ =	shalt  }
0x85: {  	_ =	shalt  }
0x86: {  	_ =	shalt  }
0x87: {  	_ =	shalt  }
.Lfunc_end0:
.L_simem_size_0:
called_computation_lowered:
.L_overlay_start_0:
0x88: {  	s2 =	sld [smem:$0x3FD9]  }
0x89: {  	s3 =	sld [smem:$0x3FFE];
	_ =	sdelay $0x1  }
0x8a: {  	s1 =	srdreg.scid  }
0x8b: {  	s0 =	sand.u32 $0x1, s1  }
0x8c: {  	s17 =	sshll.u32 s0, $0xA;
	s2 =	sadd.s32 s3, s2  }
0x8d: {  	s2 =	sadd.s32 s2, s17  }
0x8e: {  	[smem:$0x3FC6] =	sst s2  }
0x8f: {  	_ = 	snop  }
0x90: {  	s2 =	sld [smem:$0x3FD0];
	(tm) =	ssettm $0x1  }
0x91: {  	s18 =	sld [smem:$0x3FFB];
	_ =	sdelay $0x3  }
0x92: {  	_ =	strace s18  }
0x93: {  	s3 =	sld [smem:$0x3FFC];
	_ =	sdelay $0x3  }
0x94: {  	_ =	strace s3  }
0x95: {  	s3 =	sld [smem:$0x3FFD];
	_ =	sdelay $0x3  }
0x96: {  	_ =	strace s3  }
0x97: {  	_ =	strace $0x8FFFFFFF  }
0x98: {  	s19 =	sld [smem:$0x3FDB];
	_ =	sdelay $0x1  }
0x99: {  	s4 =	simm.s32 $_scs_section_size  }
0x9a: {  	s5 =	simm.s32 $_size__tile_overlayer_lowered;
	s6 =	simm.s32 $_tile_overlayer_lowered  }
0x9b: {  	s22 =	simm.s32 $0x1BFF;
	s21 =	sshll.u32 s6, $0x1;
	s3 =	sadd.s32 s4, s19  }
0x9c: {  	s7 =	simm.s32 $0x0;
	s20 =	sshll.u32 s5, $0x1;
	s5 =	sadd.s32 s21, s3  }
0x9d: {  	[timem:s7], [sflag:s22] =	dma.local [hbm:s5], s20  }
0x9e: {  	_ =	swait.ge [sflag:s22], s20  }
0x9f: {  	s4 =	ssub.s32 $0x0, s20;
	[sflag:s22] =	ssyncset.done $0x0  }
0xa0: {  	[sflag:s22] =	ssyncadd.s32 s4;
	_ =	sdelay $0x1  }
0xa1: {  	s23 =	simm.s32 $0x1B8B  }
0xa2: {  	_ =	swait.ge [sflag:s23], $0x1  }
0xa3: {  	[sflag:s23] =	ssyncset.done $0x0  }
0xa4: {  	s25 =	simm.s32 $0x1B8E;
	s24 =	sld [smem:$0x3FFE];
	[sflag:s23] =	ssyncadd.s32 $0xFFFFFFFF  }
0xa5: {  	s26 =	simm.s32 $execute0_lowered;
	[smem:$0x3FD2] =	sst s25  }
0xa6: {  	s5 =	sshll.u32 s26, $0x1;
	_ =	strace $0x80000046;
	[dreg:$0x1] =	wrdreg $0xFFFFFFFF  }
0xa7: {  	s28 =	simm.s32 $_size_execute0_lowered;
	s3 =	sadd.s32 s3, s5;
	[dreg:$0x0] =	wrdreg $0x0  }
0xa8: {  	s5 =	sshll.u32 s28, $0x1;
	[dreg:$0x2] =	wrdreg s3  }
0xa9: {  	[dreg:$0x3] =	wrdreg s5  }
0xaa: {  	[dreg:$0x4] =	wrdreg $0xC0  }
0xab: {  	_ =	task [dreg:s7], $0x5FFFF  }
0xac: {  	[dreg:$0x1] =	wrdreg $0xFFFFFFFF  }
0xad: {  	[dreg:$0x0] =	wrdreg $0x60  }
0xae: {  	[dreg:$0x2] =	wrdreg s24  }
0xaf: {  	[dreg:$0x3] =	wrdreg s2  }
0xb0: {  	[dreg:$0x4] =	wrdreg $0x9  }
0xb1: {  	_ =	task.clear_ibuf [dreg:s7], $0x5FFFF;
	_ =	strace $0x90000046  }
0xb2: {  	s29 =	simm.s32 $0x9;
	_ =	strace $0x80000048  }
0xb3: {  	_ =	swait.ge [sflag:s29], $0x1  }
0xb4: {  	[sflag:s29] =	ssyncadd.s32 $0xFFFFFFFF  }
0xb5: {  	_ =	strace $0x90000048  }
0xb6: {  	_ =	sfence  }
0xb7: {  	s30 =	sld [smem:$0x0];
	_ =	sdelay $0x2  }
0xb8: {  	s31 =	sshll.u32 s1, $0xD;
	s1 =	sshrl.u32 s1, $0x2  }
0xb9: {  	s3 =	sand.u32 $0x4000, s31;
	s1 =	sadd.s32 s1, s30  }
0xba: {  	s0 =	sor.u32 s3, s0;
	s1 =	sshll.u32 s1, $0x11  }
0xbb: {  	s0 =	sor.u32 s1, s0  }
0xbc: {  	s0 =	sadd.s32 $0x8F2B, s0  }
0xbd: {  	[sflag:s0] =	ssyncadd.remote.s32 $0x1  }
0xbe: {  	_ =	sfence.sel $0xFFFF  }
0xbf: {  	[dreg:$0x0] =	wrdreg $0xFFFFFFFF;
	(pc) =	sbr.abs _section_cstart, $3  }
0xc0: {  	[dreg:$0x1] =	wrdreg $0xFFFFFFFF  }
0xc1: {  	_ =	task.clear_ibuf [dreg:s7], $0x2FFFF;
	_ =	strace $0x9FFFFFFF  }
0xc2: {  	(tm) =	ssettm $0x7FFFFFFF  }
0xc3: {  	_ =	shalt  }
tec
execute0_lowered:
.L_overlay_start_1:
0x0: {  	(tag) =	ssettag $0x1  }
0x1: {  	s0 =	rddreg [dreg:$0x0]  }
0x2: {  	s2 =	srdreg.scid;
	s3 =	stileid.u32  }
0x3: {  	s4 =	simm.s32 $0x0;
	s2 =	sand.u32 $0x1, s2;
	s3 =	sshll.u32 s3, $0x1  }
0x4: {  	v0 =	vlaneseq.u32;
	[smem:$0x7FF] =	sst s4;
	s3 =	sor.u32 s2, s3  }
0x5: {  	s1 =	rddreg [dreg:$0x1];
	v0 =	vmul.u32 $0x40, v0;
	_ =	strace $0x80000047;
	s29 =	sshll.u32 s3, $0x6  }
0x6: {  	s3 =	sshll.u32 s3, $0x9;
	s4 =	sadd.s32 s29, s0;
	s0 =	sadd.s32 $0x19400, s0  }
0x7: {  	s2 =	ssub.s32 $0x2, s2;
	v1 =	vor.u32 $0x400, v0;
	v2 =	vor.u32 $0x800, v0;
	v3 =	vor.u32 $0xC00, v0;
	s1 =	sadd.s32 s1, s3;
	[smem:$0x7F9] =	sst s0  }
0x8: {  	s5 =	sshrl.u32 s2, $0x1;
	v4 =	vor.u32 $0x1000, v0;
	v5 =	vor.u32 $0x1400, v0;
	v6 =	vor.u32 $0x1800, v0;
	s31 =	sadd.s32 $0x400, s4;
	[smem:$0x7FB] =	sst s1  }
0x9: {  	v7 =	vor.u32 $0x1C00, v0;
	v8 =	vor.u32 $0x2000, v0;
	v9 =	vor.u32 $0x2400, v0;
	s30 =	ssub.s32 s2, s5;
	s1 =	sadd.s32 $0x100, s1;
	[smem:$0x7FA] =	sst s31  }
0xa: {  	s12 =	simm.s32 $0x6400;
	v10 =	vor.u32 $0x2800, v0;
	v11 =	vor.u32 $0x2C00, v0;
	v12 =	vor.u32 $0x3000, v0;
	s0 =	smax.u32 s30, $0x1;
	[smem:$0x7FC] =	sst s1  }
0xb: {  	s13 =	simm.s32 $0xA400;
	v13 =	vor.u32 $0x3400, v0;
	v14 =	vor.u32 $0x3800, v0;
	v15 =	vor.u32 $0x3C00, v0;
	s2 =	simm.s32 $0x0;
	[smem:$0x7FD] =	sst s0  }
.LBB2_1:
0xc: {  	s1 =	sld [smem:$0x7FA]  }
0xd: {  	[smem:$0x7F8] =	sst s2;
	s0 =	simm.s32 $0x0  }
0xe: {  	s28 =	simm.s32 $0x200;
	s3 =	simm.s32 $0x4000;
	s29 =	simm.s32 $0x1  }
0xf: {  	[tilespmem:s0], [sflag:$0x1] =	stream.strided.gather [hbm4b:s1+s28], $0x6400, s3, s28, $0x38;
	[tilespmem:$0x16400] =	vst v63  }
0x10: {  	_ =	swait.ge [sflag:s29], $0x6400  }
0x11: {  	s30 =	sld [smem:$0x7F9]  }
0x12: {  	[sflag:s29] =	ssyncset.done $0x0  }
0x13: {  	s31 =	simm.s32 $0x100;
	[sflag:s29] =	ssyncadd.s32 $0xFFFF9C00  }
0x14: {  	[tilespmem:s12], [sflag:$0x2] =	stream.indirect.gather [hbm4b:s30+s31], $0x40, s0, s31, $0xb8;
	[tilespmem:$0x16400] =	vst v63  }
0x15: {  	s2 =	simm.s32 $0x0  }
0x16: {  	[tilespmem:s13], [sflag:$0x3] =	stream.indirect.gather [hbm4b:s30+s31], $0x40, s31, s31, $0xb8;
	[tilespmem:$0x16400] =	vst v63  }
.LBB2_2:
0x17: {  	s0 =	simm.s32 $0x3  }
0x18: {  	s1 =	simm.s32 $0x1;
	v16 =	vmov s0  }
0x19: {  	v17 =	vmov s1;
	v16 =	vand.u32 $0x3F, v16  }
0x1a: {  	s15 =	simm.s32 $0x2;
	s10 =	simm.s32 $0x2;
	v17 =	vand.u32 $0x3D, v17;
	v24 =	vbroadcast v16, $0x0  }
0x1b: {  	s16 =	simm.s32 $0x0;
	_ =	swait.ge [sflag:s10], $0x4000;
	v25 =	vbroadcast v17, $0x0;
	v16 =	vmov s15  }
0x1c: {  	p0 =	seq.s32 s2, $0x0;
	[sflag:s10] =	ssyncset.done $0x0;
	v17 =	vmov s16;
	v16 =	vand.u32 $0x3E, v16;
	v18 =	vor.u32 v0, v24  }
0x1d: {  	s0 =	simm.s32 @!p0 $0x4;
	[smem:$0x7F7] =	sst s2;
	[sflag:s10] =	ssyncadd.s32 $0xFFFFC000;
	v21 =	vbroadcast v16, $0x0;
	v16 =	vand.u32 $0x3C, v17  }
0x1e: {  	_ =	swait.ge @!p0 [sflag:s0], $0x4000;
	v17 =	vor.u32 v0, v25;
	v22 =	vbroadcast v16, $0x0  }
0x1f: {  	[sflag:s0] =	ssyncset.done @!p0 $0x0;
	v16 =	vor.u32 v0, v21  }
0x20: {  	[sflag:s0] =	ssyncadd.s32 @!p0 $0xFFFFC000;
	v19 =	vor.u32 v0, v22  }
0x21: {  	v18 =	vld.idx.msk [tilespmem:v18+s12+$0x0], $0xffff  }
0x22: {  	v20 =	vor.u32 v1, v24  }
0x23: {  	s11 =	simm.s32 $0x180;
	s14 =	sand.u32 $0x3800, s16;
	v17 =	vld.idx.msk [tilespmem:v17+s12+$0x0], $0xffff  }
0x24: {  	s4 =	sadd.s32 $0xE400, s14;
	v23 =	vor.u32 v1, v25;
	s0 =	sand.u32 $0x380, s11;
	v16 =	vld.idx.msk [tilespmem:v16+s12+$0x0], $0xffff  }
0x25: {  	s17 =	simm.s32 $0x80;
	v26 =	vor.u32 v1, v21;
	s3 =	sor.u32 s0, s4;
	v19 =	vld.idx.msk [tilespmem:v19+s12+$0x0], $0xffff  }
0x26: {  	s19 =	simm.s32 $0x100;
	s18 =	sand.u32 $0x280, s17;
	v27 =	vor.u32 v1, v22;
	[tilespmem:s3+$0x0] =	vst v18  }
0x27: {  	s5 =	simm.s32 $0x0;
	s20 =	sand.u32 $0x300, s19;
	s1 =	sor.u32 s18, s4;
	v18 =	vld.idx.msk [tilespmem:v20+s12+$0x0], $0xffff  }
0x28: {  	s5 =	sand.u32 $0x200, s5;
	s2 =	sor.u32 s20, s4;
	[tilespmem:s1+$0x0] =	vst v17;
	v17 =	vor.u32 v2, v24  }
0x29: {  	s21 =	sor.u32 s5, s4;
	v20 =	vld.idx.msk [tilespmem:v23+s12+$0x0], $0xffff;
	[tilespmem:s2+$0x0] =	vst v16  }
0x2a: {  	[tilespmem:s21+$0x0] =	vst v19;
	v16 =	vld.idx.msk [tilespmem:v26+s12+$0x0], $0xffff;
	v19 =	vor.u32 v2, v25  }
0x2b: {  	v26 =	vor.u32 v2, v21;
	v23 =	vld.idx.msk [tilespmem:v27+s12+$0x0], $0xffff  }
0x2c: {  	v27 =	vor.u32 v2, v22;
	[tilespmem:s3+$0x10] =	vst v18  }
0x2d: {  	v17 =	vld.idx.msk [tilespmem:v17+s12+$0x0], $0xffff  }
0x2e: {  	[tilespmem:s1+$0x10] =	vst v20;
	v18 =	vor.u32 v3, v24  }
0x2f: {  	v19 =	vld.idx.msk [tilespmem:v19+s12+$0x0], $0xffff;
	[tilespmem:s2+$0x10] =	vst v16  }
0x30: {  	v20 =	vor.u32 v3, v25;
	[tilespmem:s21+$0x10] =	vst v23;
	v16 =	vld.idx.msk [tilespmem:v26+s12+$0x0], $0xffff  }
0x31: {  	v26 =	vor.u32 v3, v21;
	v23 =	vld.idx.msk [tilespmem:v27+s12+$0x0], $0xffff  }
0x32: {  	v27 =	vor.u32 v3, v22;
	[tilespmem:s3+$0x20] =	vst v17  }
0x33: {  	v17 =	vld.idx.msk [tilespmem:v18+s12+$0x0], $0xffff  }
0x34: {  	[tilespmem:s1+$0x20] =	vst v19;
	v18 =	vor.u32 v4, v24  }
0x35: {  	v19 =	vld.idx.msk [tilespmem:v20+s12+$0x0], $0xffff;
	[tilespmem:s2+$0x20] =	vst v16  }
0x36: {  	v20 =	vor.u32 v4, v25;
	[tilespmem:s21+$0x20] =	vst v23;
	v16 =	vld.idx.msk [tilespmem:v26+s12+$0x0], $0xffff  }
0x37: {  	v26 =	vor.u32 v4, v21;
	v23 =	vld.idx.msk [tilespmem:v27+s12+$0x0], $0xffff  }
0x38: {  	v27 =	vor.u32 v4, v22;
	[tilespmem:s3+$0x30] =	vst v17  }
0x39: {  	v17 =	vld.idx.msk [tilespmem:v18+s12+$0x0], $0xffff  }
0x3a: {  	[tilespmem:s1+$0x30] =	vst v19;
	v18 =	vor.u32 v5, v24  }
0x3b: {  	v19 =	vld.idx.msk [tilespmem:v20+s12+$0x0], $0xffff;
	[tilespmem:s2+$0x30] =	vst v16  }
0x3c: {  	v20 =	vor.u32 v5, v25;
	[tilespmem:s21+$0x30] =	vst v23;
	v16 =	vld.idx.msk [tilespmem:v26+s12+$0x0], $0xffff  }
0x3d: {  	v26 =	vor.u32 v5, v21;
	v23 =	vld.idx.msk [tilespmem:v27+s12+$0x0], $0xffff  }
0x3e: {  	v27 =	vor.u32 v5, v22;
	[tilespmem:s3+$0x40] =	vst v17  }
0x3f: {  	v17 =	vld.idx.msk [tilespmem:v18+s12+$0x0], $0xffff  }
0x40: {  	[tilespmem:s1+$0x40] =	vst v19;
	v18 =	vor.u32 v6, v24  }
0x41: {  	v19 =	vld.idx.msk [tilespmem:v20+s12+$0x0], $0xffff;
	[tilespmem:s2+$0x40] =	vst v16  }
0x42: {  	v20 =	vor.u32 v6, v25;
	[tilespmem:s21+$0x40] =	vst v23;
	v16 =	vld.idx.msk [tilespmem:v26+s12+$0x0], $0xffff  }
0x43: {  	v26 =	vor.u32 v6, v21;
	v23 =	vld.idx.msk [tilespmem:v27+s12+$0x0], $0xffff  }
0x44: {  	v27 =	vor.u32 v6, v22;
	[tilespmem:s3+$0x50] =	vst v17  }
0x45: {  	v17 =	vld.idx.msk [tilespmem:v18+s12+$0x0], $0xffff  }
0x46: {  	[tilespmem:s1+$0x50] =	vst v19;
	v18 =	vor.u32 v7, v24  }
0x47: {  	v19 =	vld.idx.msk [tilespmem:v20+s12+$0x0], $0xffff;
	[tilespmem:s2+$0x50] =	vst v16  }
0x48: {  	s22 =	simm.s32 $0x5;
	v20 =	vor.u32 v7, v25;
	[tilespmem:s21+$0x50] =	vst v23;
	v16 =	vld.idx.msk [tilespmem:v26+s12+$0x0], $0xffff  }
0x49: {  	v23 =	vmov s22;
	v26 =	vld.idx.msk [tilespmem:v27+s12+$0x0], $0xffff;
	v27 =	vor.u32 v7, v21  }
0x4a: {  	v28 =	vor.u32 v7, v22;
	v23 =	vand.u32 $0x3D, v23;
	[tilespmem:s3+$0x60] =	vst v17  }
0x4b: {  	v17 =	vbroadcast v23, $0x0;
	v18 =	vld.idx.msk [tilespmem:v18+s12+$0x0], $0xffff  }
0x4c: {  	s23 =	simm.s32 $0x6;
	[tilespmem:s1+$0x60] =	vst v19;
	v19 =	vor.u32 v8, v24  }
0x4d: {  	v29 =	vmov s23;
	v23 =	vor.u32 v0, v17;
	v30 =	vld.idx.msk [tilespmem:v20+s12+$0x0], $0xffff;
	[tilespmem:s2+$0x60] =	vst v16  }
0x4e: {  	s24 =	simm.s32 $0x7;
	v16 =	vand.u32 $0x3E, v29;
	[tilespmem:s21+$0x60] =	vst v26;
	v26 =	vld.idx.msk [tilespmem:v27+s12+$0x0], $0xffff;
	v27 =	vor.u32 v8, v25  }
0x4f: {  	v29 =	vor.u32 v8, v21;
	v20 =	vmov s24;
	v16 =	vbroadcast v16, $0x0;
	v28 =	vld.idx.msk [tilespmem:v28+s12+$0x0], $0xffff  }
0x50: {  	v31 =	vor.u32 v8, v22;
	[tilespmem:s3+$0x70] =	vst v18;
	v18 =	vand.u32 $0x3F, v20  }
0x51: {  	s25 =	sand.u32 $0x7, s16;
	v32 =	vor.u32 v0, v16;
	v33 =	vld.idx.msk [tilespmem:v19+s12+$0x0], $0xffff;
	v20 =	vbroadcast v18, $0x0  }
0x52: {  	s26 =	simm.s32 $0x4;
	s6 =	sand.u32 $0x3, s16;
	s3 =	sshll.u32 s25, $0x7;
	v34 =	vld.idx.msk [tilespmem:v23+s12+$0x0], $0xffff;
	[tilespmem:s1+$0x70] =	vst v30;
	v23 =	vor.u32 v9, v24  }
0x53: {  	s7 =	sshll.u32 s6, $0x8;
	s5 =	simm.s32 $0x9;
	s3 =	sadd.s32 $0x0, s3;
	v27 =	vld.idx.msk [tilespmem:v27+s12+$0x0], $0xffff;
	[tilespmem:s2+$0x70] =	vst v26;
	v26 =	vor.u32 v0, v20  }
0x54: {  	p1 =	por $0x0, $0x0;
	s9 =	sadd.s32 $0x0, s7;
	v18 =	vmov s26;
	v19 =	vmov s5;
	s1 =	sadd.s32 $0x180, s3;
	[tilespmem:s21+$0x70] =	vst v28;
	v28 =	vld.idx.msk [tilespmem:v29+s12+$0x0], $0xffff;
	v29 =	vor.u32 v9, v25  }
0x55: {  	v35 =	vor.u32 v9, v21;
	v18 =	vand.u32 $0x3C, v18;
	s2 =	simm.s32 $0x1;
	s0 =	sadd.s32 $0x80, s3;
	s8 =	sor.u32 $0x400, s1;
	v30 =	vld.idx.msk [tilespmem:v31+s12+$0x0], $0xffff;
	v31 =	vand.u32 $0x3D, v19  }
0x56: {  	s22 =	simm.s32 $0x300;
	s2 =	simm.s32 @!p1 $0x0;
	s11 =	sor.u32 $0x400, s0;
	v19 =	vbroadcast v18, $0x0;
	v32 =	vld.idx.msk [tilespmem:v32+s12+$0x0], $0xffff;
	v18 =	vbroadcast v31, $0x0;
	v31 =	vor.u32 v9, v22;
	[tilespmem:s8+$0xE400] =	vst v33  }
0x57: {  	v56 =	vor.u32 v1, v16;
	s10 =	sshll.u32 s2, $0x9;
	s2 =	sadd.s32 $0x100, s9;
	s9 =	simm.s32 $0x400;
	v23 =	vld.idx.msk [tilespmem:v23+s12+$0x0], $0xffff  }
0x58: {  	s3 =	sadd.s32 $0x0, s10;
	s5 =	sor.u32 $0x400, s2;
	s17 =	sand.u32 $0x3800, s9;
	v54 =	vor.u32 v0, v19;
	[tilespmem:s11+$0xE400] =	vst v27;
	v26 =	vld.idx.msk [tilespmem:v26+s12+$0x0], $0xffff  }
0x59: {  	s23 =	sand.u32 $0x300, s22;
	v37 =	vor.u32 v1, v17;
	s14 =	sor.u32 $0x400, s3;
	s18 =	sadd.s32 $0xE400, s17;
	v27 =	vld.idx.msk [tilespmem:v29+s12+$0x0], $0xffff;
	[tilespmem:s5+$0xE400] =	vst v28  }
0x5a: {  	s7 =	simm.s32 $0x280;
	s11 =	simm.s32 $0x380;
	s4 =	sor.u32 s23, s18;
	v28 =	vor.u32 v10, v24;
	[tilespmem:s14+$0xE400] =	vst v30;
	v30 =	vld.idx.msk [tilespmem:v35+s12+$0x0], $0xffff  }
0x5b: {  	s21 =	sand.u32 $0x280, s7;
	v29 =	vor.u32 v1, v20;
	s19 =	sand.u32 $0x380, s11;
	[tilespmem:s4+$0x0] =	vst v32;
	v31 =	vld.idx.msk [tilespmem:v31+s12+$0x0], $0xffff  }
0x5c: {  	v36 =	vor.u32 v0, v18;
	s31 =	sor.u32 s19, s18;
	s19 =	sor.u32 s21, s18;
	v61 =	vld.idx.msk [tilespmem:v56+s12+$0x0], $0xffff  }
0x5d: {  	v55 =	vor.u32 v10, v25;
	s6 =	sor.u32 $0x410, s1;
	[tilespmem:s19+$0x0] =	vst v34;
	v33 =	vld.idx.msk [tilespmem:v54+s12+$0x0], $0xffff  }
0x5e: {  	v62 =	vor.u32 v10, v22;
	v59 =	vld.idx.msk [tilespmem:v37+s12+$0x0], $0xffff;
	[tilespmem:s6+$0xE400] =	vst v23  }
0x5f: {  	s20 =	sor.u32 $0x410, s0;
	[tilespmem:s31+$0x0] =	vst v26;
	v26 =	vor.u32 v1, v19;
	v28 =	vld.idx.msk [tilespmem:v28+s12+$0x0], $0xffff  }
0x60: {  	s25 =	sor.u32 $0x410, s2;
	s8 =	simm.s32 $0x200;
	[tilespmem:s20+$0xE400] =	vst v27;
	v27 =	vld.idx.msk [tilespmem:v29+s12+$0x0], $0xffff;
	v29 =	vor.u32 v10, v21  }
0x61: {  	v58 =	vor.u32 v11, v24;
	s24 =	sand.u32 $0x200, s8;
	v23 =	vld.idx.msk [tilespmem:v36+s12+$0x0], $0xffff;
	s6 =	sor.u32 $0x410, s3;
	[tilespmem:s25+$0xE400] =	vst v30  }
0x62: {  	s22 =	sor.u32 s24, s18;
	v57 =	vld.idx.msk [tilespmem:v55+s12+$0x0], $0xffff;
	v30 =	vor.u32 v2, v17;
	[tilespmem:s6+$0xE400] =	vst v31  }
0x63: {  	v60 =	vor.u32 v2, v20;
	[tilespmem:s22+$0x0] =	vst v33;
	v40 =	vld.idx.msk [tilespmem:v62+s12+$0x0], $0xffff  }
0x64: {  	v63 =	vor.u32 v11, v25;
	s26 =	sor.u32 $0x420, s1;
	[tilespmem:s4+$0x10] =	vst v61;
	v26 =	vld.idx.msk [tilespmem:v26+s12+$0x0], $0xffff  }
0x65: {  	[tilespmem:s26+$0xE400] =	vst v28;
	v28 =	vor.u32 v2, v16;
	v29 =	vld.idx.msk [tilespmem:v29+s12+$0x0], $0xffff  }
0x66: {  	v45 =	vor.u32 v11, v22;
	[tilespmem:s19+$0x10] =	vst v59;
	v35 =	vld.idx.msk [tilespmem:v58+s12+$0x0], $0xffff  }
0x67: {  	s7 =	sor.u32 $0x420, s0;
	[tilespmem:s31+$0x10] =	vst v27;
	v27 =	vor.u32 v2, v19;
	v30 =	vld.idx.msk [tilespmem:v30+s12+$0x0], $0xffff  }
0x68: {  	v41 =	vor.u32 v12, v24;
	s14 =	sor.u32 $0x420, s3;
	[tilespmem:s7+$0xE400] =	vst v57;
	v31 =	vld.idx.msk [tilespmem:v60+s12+$0x0], $0xffff  }
0x69: {  	v42 =	vor.u32 v3, v20;
	v37 =	vld.idx.msk [tilespmem:v63+s12+$0x0], $0xffff;
	[tilespmem:s14+$0xE400] =	vst v40  }
0x6a: {  	v43 =	vor.u32 v3, v17;
	s8 =	sor.u32 $0x430, s1;
	[tilespmem:s22+$0x10] =	vst v26;
	v26 =	vld.idx.msk [tilespmem:v28+s12+$0x0], $0xffff  }
0x6b: {  	s10 =	sor.u32 $0x420, s2;
	v33 =	vld.idx.msk [tilespmem:v45+s12+$0x0], $0xffff;
	v28 =	vor.u32 v11, v21;
	[tilespmem:s8+$0xE400] =	vst v35  }
0x6c: {  	v44 =	vor.u32 v3, v16;
	v27 =	vld.idx.msk [tilespmem:v27+s12+$0x0], $0xffff;
	[tilespmem:s10+$0xE400] =	vst v29  }
0x6d: {  	[tilespmem:s31+$0x20] =	vst v31;
	v31 =	vor.u32 v3, v19;
	v36 =	vld.idx.msk [tilespmem:v41+s12+$0x0], $0xffff  }
0x6e: {  	[tilespmem:s19+$0x20] =	vst v30;
	v30 =	vor.u32 v13, v24;
	v29 =	vld.idx.msk [tilespmem:v42+s12+$0x0], $0xffff  }
0x6f: {  	v46 =	vor.u32 v4, v20;
	s18 =	sor.u32 $0x430, s0;
	[tilespmem:s4+$0x20] =	vst v26;
	v26 =	vld.idx.msk [tilespmem:v43+s12+$0x0], $0xffff  }
0x70: {  	v47 =	vor.u32 v12, v25;
	[tilespmem:s18+$0xE400] =	vst v37;
	v28 =	vld.idx.msk [tilespmem:v28+s12+$0x0], $0xffff  }
0x71: {  	v48 =	vor.u32 v4, v17;
	s17 =	sor.u32 $0x440, s1;
	[tilespmem:s22+$0x20] =	vst v27;
	v27 =	vld.idx.msk [tilespmem:v44+s12+$0x0], $0xffff  }
0x72: {  	v50 =	vor.u32 v12, v21;
	v31 =	vld.idx.msk [tilespmem:v31+s12+$0x0], $0xffff;
	[tilespmem:s17+$0xE400] =	vst v36  }
0x73: {  	[tilespmem:s31+$0x30] =	vst v29;
	v29 =	vor.u32 v4, v19;
	v30 =	vld.idx.msk [tilespmem:v30+s12+$0x0], $0xffff  }
0x74: {  	v49 =	vor.u32 v4, v16;
	s20 =	sor.u32 $0x430, s2;
	v34 =	vld.idx.msk [tilespmem:v46+s12+$0x0], $0xffff;
	[tilespmem:s19+$0x30] =	vst v26  }
0x75: {  	v26 =	vld.idx.msk [tilespmem:v47+s12+$0x0], $0xffff;
	[tilespmem:s20+$0xE400] =	vst v28  }
0x76: {  	v51 =	vor.u32 v14, v24;
	[tilespmem:s4+$0x30] =	vst v27;
	v27 =	vld.idx.msk [tilespmem:v48+s12+$0x0], $0xffff  }
0x77: {  	v52 =	vor.u32 v5, v20;
	s23 =	sor.u32 $0x430, s3;
	v37 =	vld.idx.msk [tilespmem:v50+s12+$0x0], $0xffff;
	[tilespmem:s22+$0x30] =	vst v31  }
0x78: {  	s21 =	sor.u32 $0x450, s1;
	[tilespmem:s23+$0xE400] =	vst v33;
	v28 =	vld.idx.msk [tilespmem:v29+s12+$0x0], $0xffff;
	v29 =	vor.u32 v5, v17  }
0x79: {  	v53 =	vor.u32 v12, v22;
	v31 =	vld.idx.msk [tilespmem:v49+s12+$0x0], $0xffff;
	[tilespmem:s21+$0xE400] =	vst v30  }
0x7a: {  	s24 =	sor.u32 $0x440, s0;
	v30 =	vor.u32 v5, v16;
	[tilespmem:s31+$0x40] =	vst v34  }
0x7b: {  	v54 =	vor.u32 v5, v19;
	v35 =	vld.idx.msk [tilespmem:v51+s12+$0x0], $0xffff;
	[tilespmem:s24+$0xE400] =	vst v26  }
0x7c: {  	v55 =	vor.u32 v13, v25;
	s6 =	sor.u32 $0x440, s2;
	v32 =	vld.idx.msk [tilespmem:v52+s12+$0x0], $0xffff;
	[tilespmem:s19+$0x40] =	vst v27  }
0x7d: {  	v56 =	vor.u32 v15, v24;
	[tilespmem:s6+$0xE400] =	vst v37;
	v29 =	vld.idx.msk [tilespmem:v29+s12+$0x0], $0xffff  }
0x7e: {  	v27 =	vld.idx.msk [tilespmem:v53+s12+$0x0], $0xffff;
	[tilespmem:s4+$0x40] =	vst v31;
	v31 =	vor.u32 v6, v20  }
0x7f: {  	s26 =	sor.u32 $0x460, s1;
	[tilespmem:s22+$0x40] =	vst v28;
	v28 =	vld.idx.msk [tilespmem:v30+s12+$0x0], $0xffff  }
0x80: {  	v30 =	vor.u32 v13, v21;
	v26 =	vld.idx.msk [tilespmem:v54+s12+$0x0], $0xffff;
	[tilespmem:s26+$0xE400] =	vst v35  }
0x81: {  	v57 =	vor.u32 v6, v17;
	v33 =	vld.idx.msk [tilespmem:v55+s12+$0x0], $0xffff;
	[tilespmem:s31+$0x50] =	vst v32  }
0x82: {  	s25 =	simm.s32 $0xA;
	v58 =	vor.u32 v6, v16;
	s24 =	sor.u32 $0x460, s3;
	v36 =	vld.idx.msk [tilespmem:v56+s12+$0x0], $0xffff;
	[tilespmem:s19+$0x50] =	vst v29  }
0x83: {  	p1 =	por !p1, !p1;
	s29 =	sor.u32 $0x460, s2;
	v59 =	vor.u32 v6, v19;
	v24 =	vmov s25;
	v31 =	vld.idx.msk [tilespmem:v31+s12+$0x0], $0xffff;
	[dreg:$0xe] =	wrdreg s24  }
0x84: {  	s7 =	sor.u32 $0x440, s3;
	v60 =	vor.u32 v13, v22;
	s14 =	sor.u32 $0x450, s2;
	s8 =	sor.u32 $0x450, s3;
	v24 =	vand.u32 $0x3E, v24;
	[tilespmem:s4+$0x50] =	vst v28  }
0x85: {  	v24 =	vbroadcast v24, $0x0;
	s6 =	sor.u32 $0x470, s3;
	s3 =	sor.u32 $0x470, s2;
	s2 =	simm.s32 $0x1;
	v30 =	vld.idx.msk [tilespmem:v30+s12+$0x0], $0xffff;
	[tilespmem:s22+$0x50] =	vst v26  }
0x86: {  	s30 =	sor.u32 $0x460, s0;
	s1 =	sor.u32 $0x470, s1;
	s2 =	simm.s32 @!p1 $0x0;
	v28 =	vld.idx.msk [tilespmem:v57+s12+$0x0], $0xffff;
	[tilespmem:s7+$0xE400] =	vst v27  }
0x87: {  	s10 =	sand.u32 $0x3, s15;
	s25 =	sor.u32 $0x450, s0;
	s2 =	sshll.u32 s2, $0x9;
	v29 =	vor.u32 v0, v24;
	[tilespmem:s1+$0xE400] =	vst v36;
	v26 =	vld.idx.msk [tilespmem:v58+s12+$0x0], $0xffff  }
0x88: {  	s0 =	sor.u32 $0x470, s0;
	s10 =	sshll.u32 s10, $0x8;
	s2 =	sadd.s32 $0x400, s2;
	v38 =	vld.idx.msk [tilespmem:v59+s12+$0x0], $0xffff;
	[tilespmem:s31+$0x60] =	vst v31  }
0x89: {  	s26 =	sadd.s32 $0x400, s10;
	s17 =	sor.u32 $0x400, s2;
	v37 =	vld.idx.msk [tilespmem:v60+s12+$0x0], $0xffff;
	[dreg:$0xf] =	wrdreg s0  }
0x8a: {  	s10 =	sadd.s32 $0x100, s26;
	[dreg:$0x11] =	wrdreg s17  }
0x8b: {  	v61 =	vor.u32 v7, v20;
	s18 =	sor.u32 $0x400, s10;
	[tilespmem:s25+$0xE400] =	vst v33  }
0x8c: {  	s20 =	sor.u32 $0x410, s10;
	v27 =	vld.idx.msk [tilespmem:v29+s12+$0x0], $0xffff;
	[dreg:$0x13] =	wrdreg s18  }
0x8d: {  	v62 =	vor.u32 v14, v25;
	s21 =	sor.u32 $0x410, s2;
	[dreg:$0xb] =	wrdreg s20  }
0x8e: {  	[dreg:$0xa] =	wrdreg s21  }
0x8f: {  	v39 =	vor.u32 v7, v17;
	s23 =	sor.u32 $0x420, s2;
	[tilespmem:s19+$0x60] =	vst v28  }
0x90: {  	v63 =	vor.u32 v7, v16;
	v31 =	vld.idx.msk [tilespmem:v61+s12+$0x0], $0xffff;
	[dreg:$0x6] =	wrdreg s23  }
0x91: {  	s24 =	sor.u32 $0x470, s2;
	[tilespmem:s14+$0xE400] =	vst v30  }
0x92: {  	v40 =	vor.u32 v7, v19;
	v32 =	vld.idx.msk [tilespmem:v62+s12+$0x0], $0xffff;
	[dreg:$0x3] =	wrdreg s24  }
0x93: {  	v41 =	vor.u32 v14, v21;
	[tilespmem:s4+$0x60] =	vst v26  }
0x94: {  	s28 =	simm.s32 $0xC;
	s26 =	sor.u32 $0x430, s10;
	s25 =	sor.u32 $0x420, s10;
	v29 =	vld.idx.msk [tilespmem:v39+s12+$0x0], $0xffff;
	[tilespmem:s22+$0x60] =	vst v38  }
0x95: {  	s17 =	sor.u32 $0x450, s10;
	s0 =	simm.s32 $0xB;
	v26 =	vld.idx.msk [tilespmem:v63+s12+$0x0], $0xffff;
	[dreg:$0x7] =	wrdreg s25  }
0x96: {  	s18 =	sor.u32 $0x440, s2;
	s20 =	sor.u32 $0x460, s2;
	[dreg:$0x4] =	wrdreg s26  }
0x97: {  	v34 =	vor.u32 v8, v17;
	v35 =	vor.u32 v15, v25;
	v36 =	vor.u32 v14, v22;
	s21 =	sor.u32 $0x440, s10;
	s23 =	sor.u32 $0x430, s2;
	s14 =	sor.u32 $0x450, s2;
	v30 =	vld.idx.msk [tilespmem:v40+s12+$0x0], $0xffff  }
0x98: {  	v33 =	vor.u32 v8, v16;
	s24 =	sor.u32 $0x460, s10;
	s25 =	sor.u32 $0x470, s10;
	s26 =	simm.s32 $0x8;
	[tilespmem:s8+$0xE400] =	vst v37;
	v37 =	vor.u32 v8, v20;
	v28 =	vld.idx.msk [tilespmem:v41+s12+$0x0], $0xffff  }
.LBB2_3:
0x99: {  	[dreg:$0x1a] =	wrdreg s17  }
0x9a: {  	[dreg:$0x18] =	wrdreg s14  }
0x9b: {  	s16 =	sadd.s32 $0x4, s16;
	s7 =	smov.u32 s24;
	s1 =	rddreg [dreg:$0xe]  }
0x9c: {  	s24 =	rddreg [dreg:$0xf];
	s15 =	sadd.s32 $0x2, s15;
	s2 =	sand.u32 $0x7, s16;
	[tilespmem:s4+$0x70] =	vst v26  }
0x9d: {  	v25 =	vmov s0;
	p1 =	por !p1, !p1;
	s11 =	sadd.s32 $0x200, s11;
	s0 =	sshll.u32 s2, $0x7;
	[tilespmem:s31+$0x70] =	vst v31  }
0x9e: {  	[dreg:$0x1f] =	wrdreg s7;
	s2 =	sadd.s32 $0x1, s28;
	s0 =	sadd.s32 s9, s0;
	[tilespmem:s30+$0xE400] =	vst v32  }
0x9f: {  	s4 =	smov.u32 s20;
	s9 =	sadd.s32 $0x400, s9;
	s20 =	sadd.s32 $0xFFFFFF00, s11;
	v31 =	vld.idx.msk [tilespmem:v36+s12+$0x0], $0xffff;
	[tilespmem:s22+$0x70] =	vst v30  }
0xa0: {  	v38 =	vor.u32 v8, v19;
	v30 =	vld.idx.msk [tilespmem:v33+s12+$0x0], $0xffff;
	s5 =	sadd.s32 $0x80, s0;
	s30 =	sadd.s32 $0x180, s0;
	[tilespmem:s29+$0xE400] =	vst v28;
	[dreg:$0xe] =	wrdreg s4  }
0xa1: {  	v49 =	vor.u32 v15, v21;
	v25 =	vand.u32 $0x3F, v25;
	s4 =	simm.s32 $0x1;
	s29 =	smov.u32 s23;
	v48 =	vld.idx.msk [tilespmem:v37+s12+$0x0], $0xffff;
	[tilespmem:s19+$0x70] =	vst v29;
	s14 =	sor.u32 $0x430, s5  }
0xa2: {  	v21 =	vmovc v16;
	v16 =	vmov v24;
	v24 =	vbroadcast v25, $0x0;
	v29 =	vor.u32 v15, v22;
	s8 =	sor.u32 $0x400, s5;
	s17 =	sor.u32 $0x440, s5;
	v35 =	vld.idx.msk [tilespmem:v35+s12+$0x0], $0xffff;
	[smem:$0x7F4] =	sst s14  }
0xa3: {  	v26 =	vor.u32 v9, v20;
	s0 =	sor.u32 $0x410, s5;
	s19 =	sor.u32 $0x450, s5;
	[dreg:$0x1d] =	wrdreg s17  }
0xa4: {  	v50 =	vor.u32 v0, v24;
	v22 =	vmov v19;
	v19 =	vmov s26;
	s7 =	sor.u32 $0x400, s30;
	s22 =	sor.u32 $0x460, s5;
	v34 =	vld.idx.msk [tilespmem:v34+s12+$0x0], $0xffff;
	[dreg:$0x15] =	wrdreg s19  }
0xa5: {  	v25 =	vmov s2;
	v28 =	vor.u32 v9, v21;
	v51 =	vld.idx.msk [tilespmem:v38+s12+$0x0], $0xffff;
	s10 =	sor.u32 $0x420, s5;
	s2 =	sor.u32 $0x470, s5;
	v19 =	vand.u32 $0x3C, v19;
	[dreg:$0x17] =	wrdreg s22;
	[tilespmem:s1+$0xE400] =	vst v31  }
0xa6: {  	v52 =	vor.u32 v9, v17;
	s5 =	sand.u32 $0x3, s15;
	s4 =	simm.s32 @!p1 $0x0;
	[dreg:$0xf] =	wrdreg s2;
	v19 =	vbroadcast v19, $0x0;
	v31 =	vld.idx.msk [tilespmem:v49+s12+$0x0], $0xffff;
	[tilespmem:s7+$0xE400] =	vst v48  }
0xa7: {  	v25 =	vand.u32 $0x3D, v25;
	v53 =	vor.u32 v9, v22;
	s2 =	sshll.u32 s5, $0x8;
	s4 =	sshll.u32 s4, $0x9;
	v29 =	vld.idx.msk [tilespmem:v29+s12+$0x0], $0xffff;
	s7 =	rddreg [dreg:$0x13];
	[tilespmem:s24+$0xE400] =	vst v35  }
0xa8: {  	v25 =	vbroadcast v25, $0x0;
	s14 =	sand.u32 $0x3800, s9;
	s17 =	sand.u32 $0x380, s11;
	s19 =	sadd.s32 $0xFFFFFE80, s11;
	v54 =	vor.u32 v0, v19;
	v26 =	vld.idx.msk [tilespmem:v26+s12+$0x0], $0xffff;
	[tilespmem:s7+$0xE400] =	vst v30  }
0xa9: {  	s2 =	sadd.s32 s9, s2;
	s1 =	sadd.s32 $0xFFFFFF80, s11;
	v37 =	vld.idx.msk [tilespmem:v50+s12+$0x0], $0xffff;
	[tilespmem:s8+$0xE400] =	vst v34;
	s8 =	rddreg [dreg:$0x11]  }
0xaa: {  	v55 =	vor.u32 v0, v25;
	s22 =	sand.u32 $0x200, s19;
	s5 =	sand.u32 $0x300, s1;
	s24 =	sand.u32 $0x280, s20;
	v28 =	vld.idx.msk [tilespmem:v28+s12+$0x0], $0xffff;
	[tilespmem:s8+$0xE400] =	vst v51  }
0xab: {  	v30 =	vor.u32 v10, v20;
	s20 =	sor.u32 $0x420, s30;
	v34 =	vld.idx.msk [tilespmem:v52+s12+$0x0], $0xffff;
	s8 =	sor.u32 $0x410, s30;
	[tilespmem:s3+$0xE400] =	vst v31;
	s3 =	sadd.s32 $0xE400, s14  }
0xac: {  	v56 =	vor.u32 v1, v24;
	v32 =	vld.idx.msk [tilespmem:v53+s12+$0x0], $0xffff;
	s14 =	sadd.s32 s4, s9;
	s31 =	sor.u32 s17, s3;
	s22 =	sor.u32 s22, s3  }
0xad: {  	v31 =	vld.idx.msk [tilespmem:v54+s12+$0x0], $0xffff;
	[tilespmem:s6+$0xE400] =	vst v29;
	s19 =	sor.u32 s24, s3;
	s4 =	sor.u32 s5, s3;
	s6 =	sor.u32 $0x400, s14  }
0xae: {  	v59 =	vor.u32 v1, v16;
	s3 =	sadd.s32 $0x100, s2;
	s24 =	sor.u32 $0x440, s14;
	[tilespmem:s8+$0xE400] =	vst v26;
	[dreg:$0x11] =	wrdreg s6  }
0xaf: {  	v57 =	vor.u32 v10, v17;
	v29 =	vld.idx.msk [tilespmem:v55+s12+$0x0], $0xffff;
	s7 =	sor.u32 $0x400, s3;
	s1 =	sor.u32 $0x410, s3;
	s6 =	sor.u32 $0x410, s14;
	[tilespmem:s31+$0x0] =	vst v37  }
0xb0: {  	v58 =	vor.u32 v1, v18;
	[tilespmem:s4+$0x0] =	vst v27;
	s17 =	sor.u32 $0x420, s3;
	s23 =	sor.u32 $0x430, s3;
	s8 =	rddreg [dreg:$0xb];
	v30 =	vld.idx.msk [tilespmem:v30+s12+$0x0], $0xffff  }
0xb1: {  	v26 =	vor.u32 v1, v19;
	[smem:$0x7F5] =	sst s24;
	s2 =	sor.u32 $0x440, s3;
	s5 =	sor.u32 $0x450, s3;
	v37 =	vld.idx.msk [tilespmem:v56+s12+$0x0], $0xffff;
	[tilespmem:s0+$0xE400] =	vst v34  }
0xb2: {  	v60 =	vor.u32 v10, v21;
	s24 =	sor.u32 $0x460, s3;
	[dreg:$0x13] =	wrdreg s7;
	s7 =	smov.u32 s21;
	[tilespmem:s19+$0x0] =	vst v23  }
0xb3: {  	v61 =	vor.u32 v11, v20;
	s21 =	sor.u32 $0x420, s14;
	[smem:$0x7F6] =	sst s5;
	s5 =	smov.u32 s18;
	[tilespmem:s22+$0x0] =	vst v31;
	v31 =	vld.idx.msk [tilespmem:v59+s12+$0x0], $0xffff  }
0xb4: {  	v27 =	vor.u32 v2, v24;
	s18 =	smov.u32 s25;
	s25 =	sor.u32 $0x470, s14;
	s0 =	sor.u32 $0x430, s14;
	[tilespmem:s8+$0xE400] =	vst v28;
	v33 =	vld.idx.msk [tilespmem:v57+s12+$0x0], $0xffff  }
0xb5: {  	v62 =	vor.u32 v10, v22;
	s8 =	sor.u32 $0x450, s14;
	v36 =	vld.idx.msk [tilespmem:v58+s12+$0x0], $0xffff;
	[tilespmem:s20+$0xE400] =	vst v30;
	s20 =	sor.u32 $0x460, s14;
	s14 =	smov.u32 s16  }
0xb6: {  	v28 =	vor.u32 v2, v16;
	v26 =	vld.idx.msk [tilespmem:v26+s12+$0x0], $0xffff;
	s16 =	smov.u32 s15;
	s15 =	sor.u32 $0x470, s3;
	s3 =	rddreg [dreg:$0xa];
	[tilespmem:s31+$0x10] =	vst v37  }
0xb7: {  	v23 =	vmov v29;
	v29 =	vld.idx.msk [tilespmem:v60+s12+$0x0], $0xffff;
	[tilespmem:s3+$0xE400] =	vst v32;
	s3 =	smov.u32 s1  }
0xb8: {  	v39 =	vor.u32 v2, v18;
	v63 =	vld.idx.msk [tilespmem:v61+s12+$0x0], $0xffff;
	[dreg:$0xb] =	wrdreg s3;
	s3 =	smov.u32 s6  }
0xb9: {  	v40 =	vor.u32 v11, v17;
	v27 =	vld.idx.msk [tilespmem:v27+s12+$0x0], $0xffff;
	[dreg:$0xa] =	wrdreg s3  }
0xba: {  	v30 =	vor.u32 v2, v19;
	[tilespmem:s4+$0x10] =	vst v31;
	v35 =	vld.idx.msk [tilespmem:v62+s12+$0x0], $0xffff;
	s3 =	rddreg [dreg:$0x3]  }
0xbb: {  	[tilespmem:s22+$0x10] =	vst v26;
	v26 =	vld.idx.msk [tilespmem:v28+s12+$0x0], $0xffff;
	v28 =	vor.u32 v11, v21;
	s6 =	smov.u32 s3;
	s3 =	smov.u32 s25  }
0xbc: {  	v41 =	vor.u32 v12, v20;
	[tilespmem:s19+$0x10] =	vst v36;
	[dreg:$0x3] =	wrdreg s3  }
0xbd: {  	v31 =	vor.u32 v3, v24;
	v42 =	vld.idx.msk [tilespmem:v39+s12+$0x0], $0xffff;
	[tilespmem:s10+$0xE400] =	vst v33;
	s25 =	smov.u32 s15;
	s3 =	smov.u32 s18;
	s18 =	rddreg [dreg:$0x7]  }
0xbe: {  	v43 =	vor.u32 v3, v18;
	s15 =	smov.u32 s16;
	s16 =	smov.u32 s14;
	s14 =	sor.u32 $0x430, s30;
	v32 =	vld.idx.msk [tilespmem:v40+s12+$0x0], $0xffff;
	[tilespmem:s18+$0xE400] =	vst v29  }
0xbf: {  	v44 =	vor.u32 v3, v16;
	v30 =	vld.idx.msk [tilespmem:v30+s12+$0x0], $0xffff;
	[tilespmem:s14+$0xE400] =	vst v63  }
0xc0: {  	v45 =	vor.u32 v3, v19;
	[tilespmem:s31+$0x20] =	vst v27;
	v28 =	vld.idx.msk [tilespmem:v28+s12+$0x0], $0xffff  }
0xc1: {  	v27 =	vld.idx.msk [tilespmem:v41+s12+$0x0], $0xffff  }
0xc2: {  	v46 =	vor.u32 v11, v22;
	[tilespmem:s19+$0x20] =	vst v42;
	v31 =	vld.idx.msk [tilespmem:v31+s12+$0x0], $0xffff  }
0xc3: {  	v29 =	vor.u32 v13, v20;
	[tilespmem:s4+$0x20] =	vst v26;
	v37 =	vld.idx.msk [tilespmem:v43+s12+$0x0], $0xffff  }
0xc4: {  	s14 =	rddreg [dreg:$0x6];
	v26 =	vor.u32 v4, v24;
	[tilespmem:s22+$0x20] =	vst v30;
	v30 =	vld.idx.msk [tilespmem:v44+s12+$0x0], $0xffff  }
0xc5: {  	v48 =	vor.u32 v4, v18;
	s10 =	smov.u32 s17;
	s17 =	sor.u32 $0x440, s30;
	v34 =	vld.idx.msk [tilespmem:v45+s12+$0x0], $0xffff;
	[tilespmem:s14+$0xE400] =	vst v35;
	s14 =	sld [smem:$0x7F4]  }
0xc6: {  	v47 =	vor.u32 v12, v17;
	[tilespmem:s17+$0xE400] =	vst v27  }
0xc7: {  	v49 =	vor.u32 v4, v16;
	v36 =	vld.idx.msk [tilespmem:v46+s12+$0x0], $0xffff;
	[tilespmem:s31+$0x30] =	vst v31  }
0xc8: {  	v27 =	vor.u32 v4, v19;
	[tilespmem:s14+$0xE400] =	vst v32;
	v29 =	vld.idx.msk [tilespmem:v29+s12+$0x0], $0xffff  }
0xc9: {  	v31 =	vor.u32 v12, v21;
	[tilespmem:s19+$0x30] =	vst v37;
	v26 =	vld.idx.msk [tilespmem:v26+s12+$0x0], $0xffff  }
0xca: {  	v52 =	vor.u32 v12, v22;
	[tilespmem:s4+$0x30] =	vst v30;
	v37 =	vld.idx.msk [tilespmem:v48+s12+$0x0], $0xffff  }
0xcb: {  	v53 =	vor.u32 v5, v18;
	s17 =	rddreg [dreg:$0x4];
	v32 =	vld.idx.msk [tilespmem:v47+s12+$0x0], $0xffff;
	[tilespmem:s22+$0x30] =	vst v34  }
0xcc: {  	v50 =	vor.u32 v14, v20;
	s18 =	smov.u32 s21;
	v51 =	vld.idx.msk [tilespmem:v49+s12+$0x0], $0xffff;
	[tilespmem:s17+$0xE400] =	vst v28  }
0xcd: {  	[dreg:$0x6] =	wrdreg s18;
	s18 =	sor.u32 $0x450, s30;
	v30 =	vor.u32 v5, v24;
	v27 =	vld.idx.msk [tilespmem:v27+s12+$0x0], $0xffff;
	[tilespmem:s29+$0xE400] =	vst v36  }
0xce: {  	v28 =	vor.u32 v5, v16;
	v31 =	vld.idx.msk [tilespmem:v31+s12+$0x0], $0xffff;
	[tilespmem:s18+$0xE400] =	vst v29  }
0xcf: {  	v35 =	vld.idx.msk [tilespmem:v52+s12+$0x0], $0xffff;
	[tilespmem:s19+$0x40] =	vst v37  }
0xd0: {  	v54 =	vor.u32 v13, v17;
	[tilespmem:s31+$0x40] =	vst v26;
	v37 =	vld.idx.msk [tilespmem:v53+s12+$0x0], $0xffff  }
0xd1: {  	v29 =	vor.u32 v5, v19;
	v26 =	vld.idx.msk [tilespmem:v50+s12+$0x0], $0xffff  }
0xd2: {  	v57 =	vor.u32 v6, v18;
	[dreg:$0x7] =	wrdreg s10;
	[tilespmem:s4+$0x40] =	vst v51;
	v30 =	vld.idx.msk [tilespmem:v30+s12+$0x0], $0xffff  }
0xd3: {  	s10 =	rddreg [dreg:$0x1d];
	[tilespmem:s22+$0x40] =	vst v27;
	v27 =	vld.idx.msk [tilespmem:v28+s12+$0x0], $0xffff;
	v28 =	vor.u32 v13, v21  }
0xd4: {  	v55 =	vor.u32 v15, v20;
	s21 =	smov.u32 s23;
	s23 =	smov.u32 s0;
	v20 =	vmov v24;
	s0 =	sadd.s32 $0x2, s28;
	[tilespmem:s10+$0xE400] =	vst v32  }
0xd5: {  	v56 =	vor.u32 v6, v20;
	v24 =	vmov s0;
	v33 =	vld.idx.msk [tilespmem:v54+s12+$0x0], $0xffff;
	[tilespmem:s7+$0xE400] =	vst v31  }
0xd6: {  	v58 =	vor.u32 v6, v16;
	s14 =	sor.u32 $0x460, s30;
	v24 =	vand.u32 $0x3E, v24;
	v29 =	vld.idx.msk [tilespmem:v29+s12+$0x0], $0xffff;
	[tilespmem:s19+$0x50] =	vst v37  }
0xd7: {  	v24 =	vbroadcast v24, $0x0;
	[tilespmem:s14+$0xE400] =	vst v26;
	v26 =	vor.u32 v6, v19;
	v37 =	vld.idx.msk [tilespmem:v57+s12+$0x0], $0xffff  }
0xd8: {  	[tilespmem:s31+$0x50] =	vst v30;
	v28 =	vld.idx.msk [tilespmem:v28+s12+$0x0], $0xffff  }
0xd9: {  	v31 =	vor.u32 v0, v24;
	v30 =	vld.idx.msk [tilespmem:v55+s12+$0x0], $0xffff  }
0xda: {  	v59 =	vor.u32 v13, v22;
	[tilespmem:s4+$0x50] =	vst v27;
	v34 =	vld.idx.msk [tilespmem:v56+s12+$0x0], $0xffff  }
0xdb: {  	v61 =	vld.idx.msk [tilespmem:v58+s12+$0x0], $0xffff;
	[tilespmem:s22+$0x50] =	vst v29;
	v29 =	vor.u32 v14, v17  }
0xdc: {  	v40 =	vor.u32 v7, v18;
	v26 =	vld.idx.msk [tilespmem:v26+s12+$0x0], $0xffff;
	[tilespmem:s5+$0xE400] =	vst v35;
	s5 =	rddreg [dreg:$0x15]  }
0xdd: {  	v60 =	vor.u32 v7, v20;
	s17 =	sor.u32 $0x470, s30;
	[tilespmem:s5+$0xE400] =	vst v33  }
0xde: {  	v62 =	vor.u32 v7, v16;
	[dreg:$0x4] =	wrdreg s21;
	v27 =	vld.idx.msk [tilespmem:v31+s12+$0x0], $0xffff;
	[tilespmem:s17+$0xE400] =	vst v30  }
0xdf: {  	v63 =	vor.u32 v14, v21;
	s21 =	smov.u32 s2;
	s2 =	sld [smem:$0x7F5];
	v41 =	vld.idx.msk [tilespmem:v59+s12+$0x0], $0xffff;
	[tilespmem:s19+$0x60] =	vst v37  }
0xe0: {  	p2 =	slt.u32 s28, $0x3C;
	s30 =	rddreg [dreg:$0x17];
	v30 =	vor.u32 v7, v19;
	[tilespmem:s4+$0x60] =	vst v61;
	v32 =	vld.idx.msk [tilespmem:v29+s12+$0x0], $0xffff  }
.Ltmp0:
0xe1: {  	s10 =	sld [smem:$0x7F6];
	[tilespmem:s31+$0x60] =	vst v34;
	v29 =	vld.idx.msk [tilespmem:v40+s12+$0x0], $0xffff;
	(pc) =	sbr.rel @p2 .LBB2_3-.Ltmp0, $4  }
0xe2: {  	s7 =	rddreg [dreg:$0x1a];
	v31 =	vld.idx.msk [tilespmem:v60+s12+$0x0], $0xffff;
	[tilespmem:s22+$0x60] =	vst v26  }
0xe3: {  	s26 =	smov.u32 s28;
	s29 =	rddreg [dreg:$0x1f];
	v36 =	vor.u32 v14, v22;
	v26 =	vld.idx.msk [tilespmem:v62+s12+$0x0], $0xffff;
	[tilespmem:s7+$0xE400] =	vst v28  }
0xe4: {  	s28 =	sadd.s32 $0x4, s28;
	s0 =	sadd.s32 $0x3, s26;
	s14 =	rddreg [dreg:$0x18];
	v35 =	vor.u32 v15, v17;
	v17 =	vmov v18;
	v33 =	vor.u32 v8, v16;
	v28 =	vld.idx.msk [tilespmem:v63+s12+$0x0], $0xffff  }
0xe5: {  	s18 =	smov.u32 s2;
	v18 =	vmov v25;
	v37 =	vor.u32 v8, v20;
	s17 =	smov.u32 s10;
	v34 =	vor.u32 v8, v17;
	v30 =	vld.idx.msk [tilespmem:v30+s12+$0x0], $0xffff;
	[tilespmem:s14+$0xE400] =	vst v41;
	s14 =	smov.u32 s8  }
0xe6: {  	_ =	sdelay $0x1  }
0xe7: {  	[tilespmem:s30+$0xE400] =	vst v32  }
0xe8: {  	[tilespmem:s19+$0x70] =	vst v29  }
0xe9: {  	v25 =	vmov s0;
	v36 =	vld.idx.msk [tilespmem:v36+s12+$0x0], $0xffff;
	s2 =	sadd.s32 $0x4, s16;
	[tilespmem:s31+$0x70] =	vst v31  }
0xea: {  	v25 =	vand.u32 $0x3F, v25;
	s10 =	sand.u32 $0x7, s2;
	v29 =	vld.idx.msk [tilespmem:v37+s12+$0x0], $0xffff;
	[tilespmem:s4+$0x70] =	vst v26  }
0xeb: {  	v31 =	vmov s26;
	v25 =	vbroadcast v25, $0x0;
	s0 =	sshll.u32 s10, $0x7;
	[tilespmem:s29+$0xE400] =	vst v28  }
0xec: {  	v41 =	vor.u32 v8, v19;
	v35 =	vld.idx.msk [tilespmem:v35+s12+$0x0], $0xffff;
	v31 =	vand.u32 $0x3C, v31;
	s1 =	sadd.s32 s9, s0;
	[tilespmem:s22+$0x70] =	vst v30  }
0xed: {  	v26 =	vbroadcast v31, $0x0;
	v42 =	vor.u32 v0, v25;
	v30 =	vld.idx.msk [tilespmem:v34+s12+$0x0], $0xffff;
	s0 =	sadd.s32 $0x180, s1;
	s4 =	rddreg [dreg:$0xe]  }
0xee: {  	s7 =	sor.u32 $0x400, s0;
	[tilespmem:s4+$0xE400] =	vst v36  }
0xef: {  	v31 =	vld.idx.msk [tilespmem:v33+s12+$0x0], $0xffff;
	v28 =	vor.u32 v0, v26;
	[tilespmem:s7+$0xE400] =	vst v29  }
0xf0: {  	v21 =	vor.u32 v15, v21;
	s4 =	sadd.s32 $0x80, s1;
	s5 =	rddreg [dreg:$0xf]  }
0xf1: {  	v22 =	vor.u32 v15, v22;
	s11 =	sadd.s32 $0x200, s11;
	s9 =	sadd.s32 $0x400, s9;
	v32 =	vld.idx.msk [tilespmem:v41+s12+$0x0], $0xffff;
	s1 =	sor.u32 $0x400, s4;
	[tilespmem:s5+$0xE400] =	vst v35  }
0xf2: {  	s19 =	sadd.s32 $0xFFFFFF00, s11;
	s16 =	sand.u32 $0x3800, s9;
	v29 =	vld.idx.msk [tilespmem:v42+s12+$0x0], $0xffff;
	[tilespmem:s1+$0xE400] =	vst v30;
	v30 =	vor.u32 v1, v18  }
0xf3: {  	v43 =	vor.u32 v1, v25;
	s7 =	sand.u32 $0x280, s19;
	s1 =	sadd.s32 $0xE400, s16;
	s5 =	rddreg [dreg:$0x13]  }
0xf4: {  	v28 =	vld.idx.msk [tilespmem:v28+s12+$0x0], $0xffff;
	s7 =	sor.u32 s7, s1;
	[tilespmem:s5+$0xE400] =	vst v31;
	v31 =	vor.u32 v1, v24  }
0xf5: {  	s8 =	sand.u32 $0x380, s11;
	s22 =	sadd.s32 $0xFFFFFF80, s11;
	v21 =	vld.idx.msk [tilespmem:v21+s12+$0x0], $0xffff;
	v44 =	vor.u32 v1, v26;
	s5 =	rddreg [dreg:$0x11];
	[tilespmem:s7+$0x0] =	vst v23  }
0xf6: {  	v45 =	vor.u32 v9, v20;
	s26 =	sadd.s32 $0xFFFFFE80, s11;
	v22 =	vld.idx.msk [tilespmem:v22+s12+$0x0], $0xffff;
	s10 =	sor.u32 s8, s1;
	s8 =	sand.u32 $0x300, s22;
	[tilespmem:s5+$0xE400] =	vst v32  }
0xf7: {  	s8 =	sor.u32 s8, s1;
	s5 =	sand.u32 $0x200, s26;
	[tilespmem:s10+$0x0] =	vst v29;
	v29 =	vor.u32 v9, v17;
	v23 =	vld.idx.msk [tilespmem:v30+s12+$0x0], $0xffff  }
0xf8: {  	[tilespmem:s8+$0x0] =	vst v27;
	s5 =	sor.u32 s5, s1;
	v30 =	vor.u32 v2, v18;
	v33 =	vld.idx.msk [tilespmem:v43+s12+$0x0], $0xffff  }
0xf9: {  	v27 =	vor.u32 v2, v25;
	[tilespmem:s5+$0x0] =	vst v28;
	v28 =	vld.idx.msk [tilespmem:v31+s12+$0x0], $0xffff  }
0xfa: {  	[tilespmem:s3+$0xE400] =	vst v21;
	v21 =	vld.idx.msk [tilespmem:v44+s12+$0x0], $0xffff;
	v31 =	vor.u32 v2, v24  }
0xfb: {  	v46 =	vld.idx.msk [tilespmem:v45+s12+$0x0], $0xffff;
	[tilespmem:s6+$0xE400] =	vst v22;
	v22 =	vor.u32 v2, v26  }
0xfc: {  	v48 =	vor.u32 v10, v20;
	v29 =	vld.idx.msk [tilespmem:v29+s12+$0x0], $0xffff;
	[tilespmem:s7+$0x10] =	vst v23  }
0xfd: {  	v47 =	vor.u32 v9, v16;
	[tilespmem:s10+$0x10] =	vst v33;
	v23 =	vld.idx.msk [tilespmem:v30+s12+$0x0], $0xffff  }
0xfe: {  	v30 =	vor.u32 v3, v18;
	v27 =	vld.idx.msk [tilespmem:v27+s12+$0x0], $0xffff;
	[tilespmem:s8+$0x10] =	vst v28  }
0xff: {  	s6 =	sor.u32 $0x410, s0;
	v28 =	vor.u32 v3, v25;
	[tilespmem:s5+$0x10] =	vst v21;
	v21 =	vld.idx.msk [tilespmem:v31+s12+$0x0], $0xffff  }
0x100: {  	s11 =	sor.u32 $0x410, s4;
	[tilespmem:s6+$0xE400] =	vst v46;
	v22 =	vld.idx.msk [tilespmem:v22+s12+$0x0], $0xffff;
	v31 =	vor.u32 v3, v24  }
0x101: {  	v33 =	vld.idx.msk [tilespmem:v48+s12+$0x0], $0xffff;
	[tilespmem:s11+$0xE400] =	vst v29;
	v29 =	vor.u32 v3, v26  }
0x102: {  	v53 =	vor.u32 v11, v20;
	v49 =	vld.idx.msk [tilespmem:v47+s12+$0x0], $0xffff;
	[tilespmem:s7+$0x20] =	vst v23  }
0x103: {  	v50 =	vor.u32 v9, v19;
	[tilespmem:s10+$0x20] =	vst v27;
	v23 =	vld.idx.msk [tilespmem:v30+s12+$0x0], $0xffff  }
0x104: {  	v27 =	vor.u32 v10, v17;
	v28 =	vld.idx.msk [tilespmem:v28+s12+$0x0], $0xffff;
	[tilespmem:s8+$0x20] =	vst v21  }
0x105: {  	s16 =	sor.u32 $0x420, s0;
	v30 =	vor.u32 v4, v18;
	[tilespmem:s5+$0x20] =	vst v22;
	v22 =	vld.idx.msk [tilespmem:v31+s12+$0x0], $0xffff  }
0x106: {  	v21 =	vor.u32 v4, v25;
	s1 =	rddreg [dreg:$0xb];
	[tilespmem:s16+$0xE400] =	vst v33;
	v29 =	vld.idx.msk [tilespmem:v29+s12+$0x0], $0xffff  }
0x107: {  	v31 =	vor.u32 v4, v24;
	[tilespmem:s1+$0xE400] =	vst v49;
	v55 =	vld.idx.msk [tilespmem:v53+s12+$0x0], $0xffff  }
0x108: {  	v52 =	vor.u32 v4, v26;
	v51 =	vld.idx.msk [tilespmem:v50+s12+$0x0], $0xffff;
	[tilespmem:s7+$0x30] =	vst v23  }
0x109: {  	v27 =	vld.idx.msk [tilespmem:v27+s12+$0x0], $0xffff;
	[tilespmem:s10+$0x30] =	vst v28  }
0x10a: {  	v28 =	vor.u32 v10, v16;
	v23 =	vld.idx.msk [tilespmem:v30+s12+$0x0], $0xffff;
	[tilespmem:s8+$0x30] =	vst v22  }
0x10b: {  	s22 =	sor.u32 $0x430, s0;
	v30 =	vor.u32 v5, v18;
	v21 =	vld.idx.msk [tilespmem:v21+s12+$0x0], $0xffff;
	[tilespmem:s5+$0x30] =	vst v29  }
0x10c: {  	v22 =	vor.u32 v5, v25;
	v29 =	vld.idx.msk [tilespmem:v31+s12+$0x0], $0xffff;
	s3 =	rddreg [dreg:$0xa];
	[tilespmem:s22+$0xE400] =	vst v55  }
0x10d: {  	v54 =	vor.u32 v5, v24;
	s19 =	sor.u32 $0x420, s4;
	v31 =	vld.idx.msk [tilespmem:v52+s12+$0x0], $0xffff;
	[tilespmem:s3+$0xE400] =	vst v51  }
0x10e: {  	[tilespmem:s19+$0xE400] =	vst v27;
	v27 =	vor.u32 v5, v26  }
0x10f: {  	v59 =	vor.u32 v11, v17;
	v28 =	vld.idx.msk [tilespmem:v28+s12+$0x0], $0xffff;
	[tilespmem:s7+$0x40] =	vst v23  }
0x110: {  	v56 =	vor.u32 v10, v19;
	[tilespmem:s10+$0x40] =	vst v21;
	v23 =	vld.idx.msk [tilespmem:v30+s12+$0x0], $0xffff  }
0x111: {  	v21 =	vor.u32 v12, v20;
	v22 =	vld.idx.msk [tilespmem:v22+s12+$0x0], $0xffff;
	[tilespmem:s8+$0x40] =	vst v29  }
0x112: {  	v29 =	vor.u32 v6, v25;
	[tilespmem:s5+$0x40] =	vst v31;
	v30 =	vld.idx.msk [tilespmem:v54+s12+$0x0], $0xffff  }
0x113: {  	v31 =	vor.u32 v6, v18;
	v27 =	vld.idx.msk [tilespmem:v27+s12+$0x0], $0xffff;
	s1 =	rddreg [dreg:$0x7]  }
0x114: {  	v57 =	vor.u32 v6, v24;
	v61 =	vld.idx.msk [tilespmem:v59+s12+$0x0], $0xffff;
	[tilespmem:s1+$0xE400] =	vst v28  }
0x115: {  	v58 =	vld.idx.msk [tilespmem:v56+s12+$0x0], $0xffff;
	v28 =	vor.u32 v6, v26;
	[tilespmem:s7+$0x50] =	vst v23  }
0x116: {  	v21 =	vld.idx.msk [tilespmem:v21+s12+$0x0], $0xffff;
	[tilespmem:s10+$0x50] =	vst v22  }
0x117: {  	v22 =	vor.u32 v11, v16;
	v29 =	vld.idx.msk [tilespmem:v29+s12+$0x0], $0xffff;
	[tilespmem:s8+$0x50] =	vst v30  }
0x118: {  	s3 =	sor.u32 $0x430, s4;
	v23 =	vld.idx.msk [tilespmem:v31+s12+$0x0], $0xffff;
	v30 =	vor.u32 v7, v25;
	[tilespmem:s5+$0x50] =	vst v27  }
0x119: {  	v31 =	vor.u32 v7, v18;
	v27 =	vld.idx.msk [tilespmem:v57+s12+$0x0], $0xffff;
	s1 =	rddreg [dreg:$0x6];
	[tilespmem:s3+$0xE400] =	vst v61  }
0x11a: {  	v60 =	vor.u32 v7, v24;
	s26 =	sor.u32 $0x440, s0;
	v28 =	vld.idx.msk [tilespmem:v28+s12+$0x0], $0xffff;
	[tilespmem:s1+$0xE400] =	vst v58  }
0x11b: {  	[tilespmem:s26+$0xE400] =	vst v21;
	v21 =	vor.u32 v7, v26  }
0x11c: {  	v62 =	vor.u32 v13, v20;
	v22 =	vld.idx.msk [tilespmem:v22+s12+$0x0], $0xffff;
	[tilespmem:s10+$0x60] =	vst v29  }
0x11d: {  	v29 =	vor.u32 v11, v19;
	[tilespmem:s7+$0x60] =	vst v23;
	v30 =	vld.idx.msk [tilespmem:v30+s12+$0x0], $0xffff  }
0x11e: {  	v23 =	vld.idx.msk [tilespmem:v31+s12+$0x0], $0xffff;
	[tilespmem:s8+$0x60] =	vst v27;
	v27 =	vor.u32 v8, v25  }
0x11f: {  	v31 =	vor.u32 v8, v18;
	[tilespmem:s5+$0x60] =	vst v28;
	v28 =	vld.idx.msk [tilespmem:v60+s12+$0x0], $0xffff  }
0x120: {  	v63 =	vor.u32 v8, v24;
	v21 =	vld.idx.msk [tilespmem:v21+s12+$0x0], $0xffff;
	s1 =	rddreg [dreg:$0x4]  }
0x121: {  	v36 =	vld.idx.msk [tilespmem:v62+s12+$0x0], $0xffff;
	[tilespmem:s1+$0xE400] =	vst v22;
	v22 =	vor.u32 v8, v26  }
0x122: {  	v37 =	vor.u32 v12, v17;
	s6 =	sadd.s32 $0x4, s2;
	v29 =	vld.idx.msk [tilespmem:v29+s12+$0x0], $0xffff;
	[tilespmem:s10+$0x70] =	vst v30  }
0x123: {  	p1 =	por !p1, !p1;
	s1 =	sand.u32 $0x7, s6;
	v30 =	vor.u32 v14, v20;
	[tilespmem:s7+$0x70] =	vst v23;
	v27 =	vld.idx.msk [tilespmem:v27+s12+$0x0], $0xffff  }
0x124: {  	s11 =	sor.u32 $0x450, s0;
	s1 =	sshll.u32 s1, $0x7;
	s10 =	sadd.s32 $0x2, s15;
	v23 =	vld.idx.msk [tilespmem:v31+s12+$0x0], $0xffff;
	[tilespmem:s8+$0x70] =	vst v28;
	v28 =	vor.u32 v9, v25  }
0x125: {  	s6 =	simm.s32 $0x1;
	s1 =	sadd.s32 s9, s1;
	s2 =	sand.u32 $0x3, s10;
	v31 =	vor.u32 v9, v18;
	[tilespmem:s5+$0x70] =	vst v21;
	v21 =	vld.idx.msk [tilespmem:v63+s12+$0x0], $0xffff  }
0x126: {  	v38 =	vor.u32 v9, v24;
	[tilespmem:s11+$0xE400] =	vst v36;
	s6 =	simm.s32 @!p1 $0x0;
	s15 =	sshll.u32 s2, $0x8;
	s2 =	sadd.s32 $0x180, s1;
	v22 =	vld.idx.msk [tilespmem:v22+s12+$0x0], $0xffff  }
0x127: {  	v39 =	vld.idx.msk [tilespmem:v37+s12+$0x0], $0xffff;
	s3 =	sadd.s32 $0x80, s1;
	s5 =	sadd.s32 s9, s15;
	s16 =	sor.u32 $0x400, s2;
	[tilespmem:s23+$0xE400] =	vst v29;
	v29 =	vor.u32 v9, v26  }
0x128: {  	v40 =	vor.u32 v12, v16;
	s6 =	sshll.u32 s6, $0x9;
	s19 =	sor.u32 $0x400, s3;
	s5 =	sadd.s32 $0x100, s5;
	v30 =	vld.idx.msk [tilespmem:v30+s12+$0x0], $0xffff;
	[tilespmem:s16+$0xE400] =	vst v27  }
0x129: {  	s1 =	sadd.s32 s6, s9;
	s22 =	sor.u32 $0x400, s5;
	v27 =	vor.u32 v12, v19;
	[tilespmem:s19+$0xE400] =	vst v23;
	v28 =	vld.idx.msk [tilespmem:v28+s12+$0x0], $0xffff  }
0x12a: {  	s23 =	sor.u32 $0x400, s1;
	v23 =	vld.idx.msk [tilespmem:v31+s12+$0x0], $0xffff;
	[tilespmem:s22+$0xE400] =	vst v21;
	v21 =	vor.u32 v10, v25  }
0x12b: {  	s26 =	sor.u32 $0x440, s4;
	v31 =	vor.u32 v10, v18;
	[tilespmem:s23+$0xE400] =	vst v22;
	v22 =	vld.idx.msk [tilespmem:v38+s12+$0x0], $0xffff  }
0x12c: {  	v41 =	vor.u32 v10, v24;
	[tilespmem:s26+$0xE400] =	vst v39;
	s7 =	sor.u32 $0x460, s0;
	v29 =	vld.idx.msk [tilespmem:v29+s12+$0x0], $0xffff  }
0x12d: {  	v42 =	vld.idx.msk [tilespmem:v40+s12+$0x0], $0xffff;
	s8 =	sor.u32 $0x410, s2;
	[tilespmem:s7+$0xE400] =	vst v30;
	v30 =	vor.u32 v10, v26  }
0x12e: {  	v20 =	vor.u32 v15, v20;
	s9 =	sor.u32 $0x410, s3;
	v27 =	vld.idx.msk [tilespmem:v27+s12+$0x0], $0xffff;
	[tilespmem:s8+$0xE400] =	vst v28  }
0x12f: {  	s10 =	sor.u32 $0x410, s5;
	v28 =	vor.u32 v13, v17;
	[tilespmem:s9+$0xE400] =	vst v23;
	v21 =	vld.idx.msk [tilespmem:v21+s12+$0x0], $0xffff  }
0x130: {  	s11 =	sor.u32 $0x410, s1;
	v23 =	vld.idx.msk [tilespmem:v31+s12+$0x0], $0xffff;
	v31 =	vor.u32 v11, v25;
	[tilespmem:s10+$0xE400] =	vst v22  }
0x131: {  	v22 =	vld.idx.msk [tilespmem:v41+s12+$0x0], $0xffff;
	[tilespmem:s11+$0xE400] =	vst v29;
	v29 =	vor.u32 v11, v18  }
0x132: {  	v44 =	vor.u32 v13, v16;
	[tilespmem:s21+$0xE400] =	vst v42;
	v30 =	vld.idx.msk [tilespmem:v30+s12+$0x0], $0xffff  }
0x133: {  	v43 =	vor.u32 v11, v24;
	s15 =	sor.u32 $0x420, s2;
	v20 =	vld.idx.msk [tilespmem:v20+s12+$0x0], $0xffff;
	[tilespmem:s18+$0xE400] =	vst v27  }
0x134: {  	s16 =	sor.u32 $0x420, s3;
	v27 =	vor.u32 v11, v26;
	v28 =	vld.idx.msk [tilespmem:v28+s12+$0x0], $0xffff;
	[tilespmem:s15+$0xE400] =	vst v21  }
0x135: {  	s18 =	sor.u32 $0x420, s5;
	v21 =	vor.u32 v13, v19;
	[tilespmem:s16+$0xE400] =	vst v23;
	v31 =	vld.idx.msk [tilespmem:v31+s12+$0x0], $0xffff  }
0x136: {  	s19 =	sor.u32 $0x420, s1;
	v23 =	vor.u32 v12, v25;
	v29 =	vld.idx.msk [tilespmem:v29+s12+$0x0], $0xffff;
	[tilespmem:s18+$0xE400] =	vst v22  }
0x137: {  	v46 =	vor.u32 v14, v17;
	s0 =	sor.u32 $0x470, s0;
	[tilespmem:s19+$0xE400] =	vst v30;
	v30 =	vld.idx.msk [tilespmem:v44+s12+$0x0], $0xffff  }
0x138: {  	v45 =	vor.u32 v12, v18;
	s21 =	sor.u32 $0x450, s4;
	[tilespmem:s0+$0xE400] =	vst v20;
	v22 =	vld.idx.msk [tilespmem:v43+s12+$0x0], $0xffff  }
0x139: {  	s22 =	sor.u32 $0x430, s2;
	v20 =	vld.idx.msk [tilespmem:v27+s12+$0x0], $0xffff;
	v27 =	vor.u32 v12, v24;
	[tilespmem:s21+$0xE400] =	vst v28  }
0x13a: {  	s23 =	sor.u32 $0x430, s3;
	v28 =	vor.u32 v12, v26;
	v21 =	vld.idx.msk [tilespmem:v21+s12+$0x0], $0xffff;
	[tilespmem:s22+$0xE400] =	vst v31  }
0x13b: {  	v31 =	vor.u32 v14, v16;
	[tilespmem:s23+$0xE400] =	vst v29;
	v23 =	vld.idx.msk [tilespmem:v23+s12+$0x0], $0xffff  }
0x13c: {  	v47 =	vor.u32 v14, v19;
	s26 =	sor.u32 $0x430, s5;
	[tilespmem:s17+$0xE400] =	vst v30;
	v30 =	vld.idx.msk [tilespmem:v46+s12+$0x0], $0xffff  }
0x13d: {  	s7 =	sor.u32 $0x430, s1;
	v29 =	vor.u32 v13, v25;
	v32 =	vld.idx.msk [tilespmem:v45+s12+$0x0], $0xffff;
	[tilespmem:s26+$0xE400] =	vst v22  }
0x13e: {  	v22 =	vld.idx.msk [tilespmem:v27+s12+$0x0], $0xffff;
	[tilespmem:s7+$0xE400] =	vst v20;
	v20 =	vor.u32 v13, v18  }
0x13f: {  	s8 =	sor.u32 $0x440, s2;
	v27 =	vld.idx.msk [tilespmem:v28+s12+$0x0], $0xffff;
	v28 =	vor.u32 v13, v24;
	[tilespmem:s14+$0xE400] =	vst v21  }
0x140: {  	v21 =	vor.u32 v13, v26;
	s14 =	sor.u32 $0x460, s4;
	v31 =	vld.idx.msk [tilespmem:v31+s12+$0x0], $0xffff;
	[tilespmem:s8+$0xE400] =	vst v23  }
0x141: {  	s9 =	sor.u32 $0x440, s3;
	v17 =	vor.u32 v15, v17;
	[tilespmem:s14+$0xE400] =	vst v30;
	v30 =	vld.idx.msk [tilespmem:v47+s12+$0x0], $0xffff  }
0x142: {  	s10 =	sor.u32 $0x440, s5;
	v16 =	vor.u32 v15, v16;
	[tilespmem:s9+$0xE400] =	vst v32;
	v23 =	vld.idx.msk [tilespmem:v29+s12+$0x0], $0xffff  }
0x143: {  	s11 =	sor.u32 $0x440, s1;
	v29 =	vor.u32 v14, v25;
	v20 =	vld.idx.msk [tilespmem:v20+s12+$0x0], $0xffff;
	[tilespmem:s10+$0xE400] =	vst v22  }
0x144: {  	v22 =	vld.idx.msk [tilespmem:v28+s12+$0x0], $0xffff;
	v28 =	vor.u32 v14, v18;
	[tilespmem:s11+$0xE400] =	vst v27  }
0x145: {  	v27 =	vor.u32 v14, v24;
	v21 =	vld.idx.msk [tilespmem:v21+s12+$0x0], $0xffff;
	[tilespmem:s24+$0xE400] =	vst v31  }
0x146: {  	s15 =	sor.u32 $0x450, s2;
	v17 =	vld.idx.msk [tilespmem:v17+s12+$0x0], $0xffff;
	v31 =	vor.u32 v14, v26;
	[tilespmem:s20+$0xE400] =	vst v30  }
0x147: {  	s16 =	sor.u32 $0x450, s3;
	v16 =	vld.idx.msk [tilespmem:v16+s12+$0x0], $0xffff;
	[tilespmem:s15+$0xE400] =	vst v23  }
0x148: {  	v19 =	vor.u32 v15, v19;
	s17 =	sor.u32 $0x450, s5;
	[tilespmem:s16+$0xE400] =	vst v20;
	v23 =	vld.idx.msk [tilespmem:v29+s12+$0x0], $0xffff  }
0x149: {  	s18 =	sor.u32 $0x450, s1;
	v20 =	vor.u32 v15, v25;
	v25 =	vld.idx.msk [tilespmem:v28+s12+$0x0], $0xffff;
	[tilespmem:s17+$0xE400] =	vst v22  }
0x14a: {  	s19 =	sor.u32 $0x470, s4;
	v18 =	vor.u32 v15, v18;
	[tilespmem:s18+$0xE400] =	vst v21;
	v21 =	vld.idx.msk [tilespmem:v27+s12+$0x0], $0xffff  }
0x14b: {  	v24 =	vor.u32 v15, v24;
	[tilespmem:s19+$0xE400] =	vst v17;
	v22 =	vld.idx.msk [tilespmem:v31+s12+$0x0], $0xffff  }
0x14c: {  	s21 =	sor.u32 $0x460, s2;
	v17 =	vor.u32 v15, v26;
	[tilespmem:s25+$0xE400] =	vst v16  }
0x14d: {  	s22 =	sor.u32 $0x460, s3;
	v19 =	vld.idx.msk [tilespmem:v19+s12+$0x0], $0xffff;
	[tilespmem:s21+$0xE400] =	vst v23  }
0x14e: {  	s23 =	sor.u32 $0x460, s5;
	[tilespmem:s22+$0xE400] =	vst v25;
	v20 =	vld.idx.msk [tilespmem:v20+s12+$0x0], $0xffff  }
0x14f: {  	s24 =	sor.u32 $0x460, s1;
	v18 =	vld.idx.msk [tilespmem:v18+s12+$0x0], $0xffff;
	[tilespmem:s23+$0xE400] =	vst v21  }
0x150: {  	[tilespmem:s24+$0xE400] =	vst v22;
	v21 =	vld.idx.msk [tilespmem:v24+s12+$0x0], $0xffff  }
0x151: {  	v16 =	vld.idx.msk [tilespmem:v17+s12+$0x0], $0xffff;
	s0 =	rddreg [dreg:$0x3]  }
0x152: {  	s25 =	sor.u32 $0x470, s2;
	[tilespmem:s0+$0xE400] =	vst v19  }
0x153: {  	s26 =	sor.u32 $0x470, s3;
	[tilespmem:s25+$0xE400] =	vst v20  }
0x154: {  	s3 =	sor.u32 $0x470, s5;
	s4 =	sld [smem:$0x7F7];
	[tilespmem:s26+$0xE400] =	vst v18  }
0x155: {  	s5 =	simm.s32 $0x3;
	s1 =	sor.u32 $0x470, s1;
	[tilespmem:s3+$0xE400] =	vst v21  }
0x156: {  	s7 =	simm.s32 $0x1;
	s8 =	simm.s32 $0x800;
	s9 =	simm.s32 $0x20000;
	[tilespmem:s1+$0xE400] =	vst v16  }
0x157: {  	s10 =	simm.s32 $0xE400;
	s3 =	sld [smem:$0x7F9];
	p1 =	seq.s32 s4, $0x31  }
0x158: {  	s11 =	simm.s32 $0x3;
	s6 =	sld [smem:$0x7FB];
	s2 =	sshll.u32 @!p1 s4, $0x9  }
0x159: {  	s1 =	simm.s32 @!p1 $0x100;
	s4 =	sshll.u32 s4, $0x11;
	s0 =	sand.u32 @!p1 $0x3FFFFE00, s2  }
0x15a: {  	s2 =	simm.s32 @!p1 $0x6400;
	[smem:$0x7F2] =	sst s0;
	s0 =	sadd.s32 @!p1 $0x200, s0  }
0x15b: {  	v16 =	vmov s5;
	[tilespmem:s2], [sflag:$0x2] =	stream.indirect.gather @!p1 [hbm4b:s3+s1], $0x40, s0, s1, $0xb8;
	[tilespmem:$0x16400] =	vst v63  }
0x15c: {  	s15 =	simm.s32 $0x2;
	v17 =	vmov s7;
	v16 =	vand.u32 $0x3F, v16;
	[smem:$0x7F3] =	sst s4;
	s1 =	sadd.s32 s4, s6  }
0x15d: {  	v17 =	vand.u32 $0x3D, v17;
	v24 =	vbroadcast v16, $0x0;
	[hbm4b:s1+s8] =	stream.strided.scatter [tilespmem:s10], [sflag:$0x4], $0x4000, s9, s8, $0x38;
	[tilespmem:$0x16400] =	vst v63  }
0x15e: {  	s14 =	simm.s32 $0x0;
	v25 =	vbroadcast v17, $0x0;
	v16 =	vmov s15;
	_ =	swait.ge [sflag:s11], $0x4000  }
0x15f: {  	v17 =	vmov s14;
	v16 =	vand.u32 $0x3E, v16;
	v18 =	vor.u32 v0, v24;
	[sflag:s11] =	ssyncset.done $0x0  }
0x160: {  	v21 =	vbroadcast v16, $0x0;
	v16 =	vand.u32 $0x3C, v17;
	s0 =	simm.s32 @!p0 $0x5;
	[sflag:s11] =	ssyncadd.s32 $0xFFFFC000  }
0x161: {  	v17 =	vor.u32 v0, v25;
	v22 =	vbroadcast v16, $0x0;
	_ =	swait.ge @!p0 [sflag:s0], $0x4000  }
0x162: {  	v16 =	vor.u32 v0, v21;
	[sflag:s0] =	ssyncset.done @!p0 $0x0  }
0x163: {  	v19 =	vor.u32 v0, v22;
	[sflag:s0] =	ssyncadd.s32 @!p0 $0xFFFFC000  }
0x164: {  	v18 =	vld.idx.msk [tilespmem:v18+s13+$0x0], $0xffff  }
0x165: {  	v20 =	vor.u32 v1, v24  }
0x166: {  	s16 =	simm.s32 $0x180;
	s17 =	sand.u32 $0x3800, s14;
	v17 =	vld.idx.msk [tilespmem:v17+s13+$0x0], $0xffff  }
0x167: {  	s18 =	sadd.s32 $0x12400, s17;
	v23 =	vor.u32 v1, v25;
	s0 =	sand.u32 $0x380, s16;
	v16 =	vld.idx.msk [tilespmem:v16+s13+$0x0], $0xffff  }
0x168: {  	s19 =	simm.s32 $0x80;
	v26 =	vor.u32 v1, v21;
	v19 =	vld.idx.msk [tilespmem:v19+s13+$0x0], $0xffff;
	s20 =	sor.u32 s0, s18  }
0x169: {  	s21 =	sand.u32 $0x280, s19;
	s22 =	simm.s32 $0x100;
	v27 =	vor.u32 v1, v22;
	[tilespmem:s20+$0x0] =	vst v18  }
0x16a: {  	s23 =	simm.s32 $0x0;
	s24 =	sand.u32 $0x300, s22;
	s1 =	sor.u32 s21, s18;
	v18 =	vld.idx.msk [tilespmem:v20+s13+$0x0], $0xffff  }
0x16b: {  	s5 =	sand.u32 $0x200, s23;
	s2 =	sor.u32 s24, s18;
	[tilespmem:s1+$0x0] =	vst v17;
	v17 =	vor.u32 v2, v24  }
0x16c: {  	s25 =	sor.u32 s5, s18;
	[tilespmem:s2+$0x0] =	vst v16;
	v20 =	vld.idx.msk [tilespmem:v23+s13+$0x0], $0xffff  }
0x16d: {  	[tilespmem:s25+$0x0] =	vst v19;
	v19 =	vor.u32 v2, v25;
	v16 =	vld.idx.msk [tilespmem:v26+s13+$0x0], $0xffff  }
0x16e: {  	v23 =	vld.idx.msk [tilespmem:v27+s13+$0x0], $0xffff;
	v26 =	vor.u32 v2, v21  }
0x16f: {  	v27 =	vor.u32 v2, v22;
	[tilespmem:s20+$0x10] =	vst v18  }
0x170: {  	v17 =	vld.idx.msk [tilespmem:v17+s13+$0x0], $0xffff  }
0x171: {  	[tilespmem:s1+$0x10] =	vst v20;
	v18 =	vor.u32 v3, v24  }
0x172: {  	[tilespmem:s2+$0x10] =	vst v16;
	v19 =	vld.idx.msk [tilespmem:v19+s13+$0x0], $0xffff  }
0x173: {  	[tilespmem:s25+$0x10] =	vst v23;
	v20 =	vor.u32 v3, v25;
	v16 =	vld.idx.msk [tilespmem:v26+s13+$0x0], $0xffff  }
0x174: {  	v23 =	vld.idx.msk [tilespmem:v27+s13+$0x0], $0xffff;
	v26 =	vor.u32 v3, v21  }
0x175: {  	v27 =	vor.u32 v3, v22;
	[tilespmem:s20+$0x20] =	vst v17  }
0x176: {  	v17 =	vld.idx.msk [tilespmem:v18+s13+$0x0], $0xffff  }
0x177: {  	[tilespmem:s1+$0x20] =	vst v19;
	v18 =	vor.u32 v4, v24  }
0x178: {  	[tilespmem:s2+$0x20] =	vst v16;
	v19 =	vld.idx.msk [tilespmem:v20+s13+$0x0], $0xffff  }
0x179: {  	[tilespmem:s25+$0x20] =	vst v23;
	v16 =	vld.idx.msk [tilespmem:v26+s13+$0x0], $0xffff;
	v20 =	vor.u32 v4, v25  }
0x17a: {  	v23 =	vld.idx.msk [tilespmem:v27+s13+$0x0], $0xffff;
	v26 =	vor.u32 v4, v21  }
0x17b: {  	v27 =	vor.u32 v4, v22;
	[tilespmem:s20+$0x30] =	vst v17  }
0x17c: {  	v17 =	vld.idx.msk [tilespmem:v18+s13+$0x0], $0xffff  }
0x17d: {  	[tilespmem:s1+$0x30] =	vst v19;
	v18 =	vor.u32 v5, v24  }
0x17e: {  	[tilespmem:s2+$0x30] =	vst v16;
	v19 =	vld.idx.msk [tilespmem:v20+s13+$0x0], $0xffff  }
0x17f: {  	[tilespmem:s25+$0x30] =	vst v23;
	v16 =	vld.idx.msk [tilespmem:v26+s13+$0x0], $0xffff;
	v20 =	vor.u32 v5, v25  }
0x180: {  	v23 =	vld.idx.msk [tilespmem:v27+s13+$0x0], $0xffff;
	v26 =	vor.u32 v5, v21  }
0x181: {  	v27 =	vor.u32 v5, v22;
	[tilespmem:s20+$0x40] =	vst v17  }
0x182: {  	v17 =	vld.idx.msk [tilespmem:v18+s13+$0x0], $0xffff  }
0x183: {  	[tilespmem:s1+$0x40] =	vst v19;
	v18 =	vor.u32 v6, v24  }
0x184: {  	[tilespmem:s2+$0x40] =	vst v16;
	v19 =	vld.idx.msk [tilespmem:v20+s13+$0x0], $0xffff  }
0x185: {  	[tilespmem:s25+$0x40] =	vst v23;
	v16 =	vld.idx.msk [tilespmem:v26+s13+$0x0], $0xffff;
	v20 =	vor.u32 v6, v25  }
0x186: {  	v23 =	vld.idx.msk [tilespmem:v27+s13+$0x0], $0xffff;
	v26 =	vor.u32 v6, v21  }
0x187: {  	v27 =	vor.u32 v6, v22;
	[tilespmem:s20+$0x50] =	vst v17  }
0x188: {  	v17 =	vld.idx.msk [tilespmem:v18+s13+$0x0], $0xffff  }
0x189: {  	[tilespmem:s1+$0x50] =	vst v19;
	v18 =	vor.u32 v7, v24  }
0x18a: {  	[tilespmem:s2+$0x50] =	vst v16;
	v19 =	vld.idx.msk [tilespmem:v20+s13+$0x0], $0xffff  }
0x18b: {  	s26 =	simm.s32 $0x5;
	[tilespmem:s25+$0x50] =	vst v23;
	v16 =	vld.idx.msk [tilespmem:v26+s13+$0x0], $0xffff;
	v20 =	vor.u32 v7, v25  }
0x18c: {  	v23 =	vmov s26;
	v26 =	vld.idx.msk [tilespmem:v27+s13+$0x0], $0xffff;
	v27 =	vor.u32 v7, v21  }
0x18d: {  	v28 =	vor.u32 v7, v22;
	v23 =	vand.u32 $0x3D, v23;
	[tilespmem:s20+$0x60] =	vst v17  }
0x18e: {  	v17 =	vbroadcast v23, $0x0;
	v18 =	vld.idx.msk [tilespmem:v18+s13+$0x0], $0xffff  }
0x18f: {  	[tilespmem:s1+$0x60] =	vst v19;
	v19 =	vor.u32 v8, v24  }
0x190: {  	s5 =	simm.s32 $0x6;
	[tilespmem:s2+$0x60] =	vst v16;
	v30 =	vld.idx.msk [tilespmem:v20+s13+$0x0], $0xffff;
	v23 =	vor.u32 v0, v17  }
0x191: {  	v29 =	vmov s5;
	[tilespmem:s25+$0x60] =	vst v26;
	v26 =	vld.idx.msk [tilespmem:v27+s13+$0x0], $0xffff;
	v27 =	vor.u32 v8, v25  }
0x192: {  	v16 =	vand.u32 $0x3E, v29;
	v29 =	vor.u32 v8, v21;
	v28 =	vld.idx.msk [tilespmem:v28+s13+$0x0], $0xffff  }
0x193: {  	v31 =	vor.u32 v8, v22;
	[tilespmem:s20+$0x70] =	vst v18  }
0x194: {  	s7 =	sand.u32 $0x7, s14;
	s6 =	simm.s32 $0x7;
	v16 =	vbroadcast v16, $0x0;
	v49 =	vld.idx.msk [tilespmem:v19+s13+$0x0], $0xffff  }
0x195: {  	s8 =	simm.s32 $0x4;
	s9 =	sshll.u32 s7, $0x7;
	s11 =	sand.u32 $0x3, s14;
	[tilespmem:s1+$0x70] =	vst v30;
	v50 =	vld.idx.msk [tilespmem:v23+s13+$0x0], $0xffff  }
0x196: {  	s10 =	simm.s32 $0x9;
	s3 =	sadd.s32 $0x0, s9;
	s16 =	sshll.u32 s11, $0x8;
	v48 =	vor.u32 v0, v16;
	[tilespmem:s2+$0x70] =	vst v26;
	v27 =	vld.idx.msk [tilespmem:v27+s13+$0x0], $0xffff  }
0x197: {  	p0 =	por $0x0, $0x0;
	s11 =	simm.s32 $0x400;
	s18 =	sadd.s32 $0x0, s16;
	v20 =	vmov s6;
	[tilespmem:s25+$0x70] =	vst v28;
	v23 =	vor.u32 v9, v24;
	v28 =	vld.idx.msk [tilespmem:v29+s13+$0x0], $0xffff  }
0x198: {  	s0 =	sadd.s32 $0x80, s3;
	v18 =	vand.u32 $0x3F, v20;
	s1 =	sadd.s32 $0x180, s3;
	s2 =	simm.s32 $0x1;
	v29 =	vor.u32 v9, v25;
	v30 =	vld.idx.msk [tilespmem:v31+s13+$0x0], $0xffff  }
0x199: {  	v51 =	vor.u32 v9, v21;
	s22 =	sand.u32 $0x3800, s11;
	v20 =	vbroadcast v18, $0x0;
	s17 =	sor.u32 $0x400, s1;
	s2 =	simm.s32 @!p0 $0x0  }
0x19a: {  	s5 =	sadd.s32 $0x100, s18;
	s19 =	sor.u32 $0x400, s0;
	v55 =	vor.u32 v1, v17;
	v18 =	vmov s8;
	v19 =	vmov s10;
	s2 =	sshll.u32 s2, $0x9;
	[tilespmem:s17+$0x12400] =	vst v49  }
0x19b: {  	s26 =	simm.s32 $0x280;
	s20 =	sor.u32 $0x400, s5;
	v18 =	vand.u32 $0x3C, v18;
	v31 =	vand.u32 $0x3D, v19;
	v32 =	vld.idx.msk [tilespmem:v48+s13+$0x0], $0xffff;
	v26 =	vor.u32 v0, v20;
	s3 =	sadd.s32 $0x0, s2;
	[tilespmem:s19+$0x12400] =	vst v27  }
0x19c: {  	s23 =	sadd.s32 $0x12400, s22;
	s10 =	sand.u32 $0x280, s26;
	v19 =	vbroadcast v18, $0x0;
	v18 =	vbroadcast v31, $0x0;
	v31 =	vor.u32 v9, v22;
	s21 =	sor.u32 $0x400, s3;
	[tilespmem:s20+$0x12400] =	vst v28;
	v23 =	vld.idx.msk [tilespmem:v23+s13+$0x0], $0xffff  }
0x19d: {  	v56 =	vor.u32 v1, v16;
	s4 =	sor.u32 s10, s23;
	[tilespmem:s21+$0x12400] =	vst v30;
	v27 =	vld.idx.msk [tilespmem:v29+s13+$0x0], $0xffff  }
0x19e: {  	s16 =	simm.s32 $0x300;
	v52 =	vor.u32 v0, v19;
	[tilespmem:s4+$0x0] =	vst v50;
	v30 =	vld.idx.msk [tilespmem:v51+s13+$0x0], $0xffff  }
0x19f: {  	s8 =	sand.u32 $0x300, s16;
	v53 =	vor.u32 v0, v18;
	v59 =	vld.idx.msk [tilespmem:v55+s13+$0x0], $0xffff  }
0x1a0: {  	s6 =	sor.u32 s8, s23;
	v28 =	vor.u32 v10, v24;
	v26 =	vld.idx.msk [tilespmem:v26+s13+$0x0], $0xffff  }
0x1a1: {  	v29 =	vor.u32 v1, v20;
	[tilespmem:s6+$0x0] =	vst v32;
	v31 =	vld.idx.msk [tilespmem:v31+s13+$0x0], $0xffff  }
0x1a2: {  	v54 =	vor.u32 v10, v25;
	s25 =	sor.u32 $0x410, s1;
	s2 =	simm.s32 $0x380;
	v61 =	vld.idx.msk [tilespmem:v56+s13+$0x0], $0xffff  }
0x1a3: {  	v62 =	vor.u32 v10, v22;
	s18 =	sor.u32 $0x410, s5;
	s24 =	sand.u32 $0x380, s2;
	v33 =	vld.idx.msk [tilespmem:v52+s13+$0x0], $0xffff;
	[tilespmem:s25+$0x12400] =	vst v23  }
0x1a4: {  	s19 =	sor.u32 s24, s23;
	v23 =	vld.idx.msk [tilespmem:v53+s13+$0x0], $0xffff;
	[tilespmem:s18+$0x12400] =	vst v30;
	v30 =	vor.u32 v2, v17  }
0x1a5: {  	s9 =	sor.u32 $0x410, s0;
	[tilespmem:s19+$0x0] =	vst v26;
	v26 =	vor.u32 v1, v19;
	v28 =	vld.idx.msk [tilespmem:v28+s13+$0x0], $0xffff  }
0x1a6: {  	s17 =	simm.s32 $0x200;
	s21 =	sor.u32 $0x410, s3;
	[tilespmem:s9+$0x12400] =	vst v27;
	v27 =	vld.idx.msk [tilespmem:v29+s13+$0x0], $0xffff;
	v29 =	vor.u32 v10, v21  }
0x1a7: {  	v58 =	vor.u32 v11, v24;
	s9 =	sand.u32 $0x200, s17;
	v57 =	vld.idx.msk [tilespmem:v54+s13+$0x0], $0xffff;
	[tilespmem:s21+$0x12400] =	vst v31  }
0x1a8: {  	v60 =	vor.u32 v2, v20;
	[tilespmem:s4+$0x10] =	vst v59;
	s17 =	sor.u32 s9, s23;
	v40 =	vld.idx.msk [tilespmem:v62+s13+$0x0], $0xffff  }
0x1a9: {  	v63 =	vor.u32 v11, v25;
	s20 =	sor.u32 $0x420, s1;
	[tilespmem:s17+$0x0] =	vst v33;
	v30 =	vld.idx.msk [tilespmem:v30+s13+$0x0], $0xffff  }
0x1aa: {  	v26 =	vld.idx.msk [tilespmem:v26+s13+$0x0], $0xffff;
	[tilespmem:s20+$0x12400] =	vst v28;
	v28 =	vor.u32 v2, v16  }
0x1ab: {  	v45 =	vor.u32 v11, v22;
	[tilespmem:s6+$0x10] =	vst v61;
	v29 =	vld.idx.msk [tilespmem:v29+s13+$0x0], $0xffff  }
0x1ac: {  	s22 =	sor.u32 $0x420, s0;
	[tilespmem:s19+$0x10] =	vst v27;
	v27 =	vor.u32 v2, v19;
	v35 =	vld.idx.msk [tilespmem:v58+s13+$0x0], $0xffff  }
0x1ad: {  	v41 =	vor.u32 v12, v24;
	s25 =	sor.u32 $0x420, s3;
	[tilespmem:s22+$0x12400] =	vst v57;
	v31 =	vld.idx.msk [tilespmem:v60+s13+$0x0], $0xffff  }
0x1ae: {  	v42 =	vor.u32 v3, v20;
	v37 =	vld.idx.msk [tilespmem:v63+s13+$0x0], $0xffff;
	[tilespmem:s25+$0x12400] =	vst v40  }
0x1af: {  	v43 =	vor.u32 v3, v17;
	[tilespmem:s17+$0x10] =	vst v26;
	v26 =	vld.idx.msk [tilespmem:v28+s13+$0x0], $0xffff  }
0x1b0: {  	s23 =	sor.u32 $0x430, s1;
	v33 =	vld.idx.msk [tilespmem:v45+s13+$0x0], $0xffff;
	[tilespmem:s4+$0x20] =	vst v30;
	v28 =	vor.u32 v11, v21  }
0x1b1: {  	v44 =	vor.u32 v3, v16;
	v27 =	vld.idx.msk [tilespmem:v27+s13+$0x0], $0xffff;
	[tilespmem:s23+$0x12400] =	vst v35  }
0x1b2: {  	s24 =	sor.u32 $0x420, s5;
	[tilespmem:s19+$0x20] =	vst v31;
	v31 =	vor.u32 v3, v19;
	v36 =	vld.idx.msk [tilespmem:v41+s13+$0x0], $0xffff  }
0x1b3: {  	v30 =	vor.u32 v13, v24;
	[tilespmem:s24+$0x12400] =	vst v29;
	v29 =	vld.idx.msk [tilespmem:v42+s13+$0x0], $0xffff  }
0x1b4: {  	s8 =	sor.u32 $0x430, s0;
	v46 =	vor.u32 v4, v20;
	[tilespmem:s6+$0x20] =	vst v26;
	v26 =	vld.idx.msk [tilespmem:v43+s13+$0x0], $0xffff  }
0x1b5: {  	v47 =	vor.u32 v12, v25;
	[tilespmem:s8+$0x12400] =	vst v37;
	v28 =	vld.idx.msk [tilespmem:v28+s13+$0x0], $0xffff  }
0x1b6: {  	s26 =	sor.u32 $0x440, s1;
	v48 =	vor.u32 v4, v17;
	[tilespmem:s17+$0x20] =	vst v27;
	v27 =	vld.idx.msk [tilespmem:v44+s13+$0x0], $0xffff  }
0x1b7: {  	v50 =	vor.u32 v12, v21;
	v31 =	vld.idx.msk [tilespmem:v31+s13+$0x0], $0xffff;
	[tilespmem:s26+$0x12400] =	vst v36  }
0x1b8: {  	[tilespmem:s19+$0x30] =	vst v29;
	v29 =	vor.u32 v4, v19;
	v30 =	vld.idx.msk [tilespmem:v30+s13+$0x0], $0xffff  }
0x1b9: {  	v49 =	vor.u32 v4, v16;
	s9 =	sor.u32 $0x430, s5;
	v34 =	vld.idx.msk [tilespmem:v46+s13+$0x0], $0xffff;
	[tilespmem:s4+$0x30] =	vst v26  }
0x1ba: {  	v26 =	vld.idx.msk [tilespmem:v47+s13+$0x0], $0xffff;
	[tilespmem:s9+$0x12400] =	vst v28  }
0x1bb: {  	v51 =	vor.u32 v14, v24;
	[tilespmem:s6+$0x30] =	vst v27;
	v27 =	vld.idx.msk [tilespmem:v48+s13+$0x0], $0xffff  }
0x1bc: {  	s16 =	sor.u32 $0x430, s3;
	v52 =	vor.u32 v5, v20;
	v37 =	vld.idx.msk [tilespmem:v50+s13+$0x0], $0xffff;
	[tilespmem:s17+$0x30] =	vst v31  }
0x1bd: {  	s10 =	sor.u32 $0x450, s1;
	[tilespmem:s16+$0x12400] =	vst v33;
	v28 =	vld.idx.msk [tilespmem:v29+s13+$0x0], $0xffff;
	v29 =	vor.u32 v5, v17  }
0x1be: {  	v53 =	vor.u32 v12, v22;
	v31 =	vld.idx.msk [tilespmem:v49+s13+$0x0], $0xffff;
	[tilespmem:s10+$0x12400] =	vst v30  }
0x1bf: {  	v55 =	vor.u32 v13, v25;
	s18 =	sor.u32 $0x440, s0;
	[tilespmem:s19+$0x40] =	vst v34  }
0x1c0: {  	v30 =	vor.u32 v5, v16;
	v35 =	vld.idx.msk [tilespmem:v51+s13+$0x0], $0xffff;
	[tilespmem:s18+$0x12400] =	vst v26  }
0x1c1: {  	v54 =	vor.u32 v5, v19;
	s22 =	sor.u32 $0x440, s5;
	v32 =	vld.idx.msk [tilespmem:v52+s13+$0x0], $0xffff;
	[tilespmem:s4+$0x40] =	vst v27  }
0x1c2: {  	v56 =	vor.u32 v15, v24;
	[tilespmem:s22+$0x12400] =	vst v37;
	v29 =	vld.idx.msk [tilespmem:v29+s13+$0x0], $0xffff  }
0x1c3: {  	v27 =	vld.idx.msk [tilespmem:v53+s13+$0x0], $0xffff;
	[tilespmem:s6+$0x40] =	vst v31;
	v31 =	vor.u32 v6, v20  }
0x1c4: {  	s21 =	sor.u32 $0x460, s1;
	v33 =	vld.idx.msk [tilespmem:v55+s13+$0x0], $0xffff;
	[tilespmem:s17+$0x40] =	vst v28  }
0x1c5: {  	v28 =	vld.idx.msk [tilespmem:v30+s13+$0x0], $0xffff;
	[tilespmem:s21+$0x12400] =	vst v35  }
0x1c6: {  	v30 =	vor.u32 v13, v21;
	v26 =	vld.idx.msk [tilespmem:v54+s13+$0x0], $0xffff;
	[tilespmem:s19+$0x50] =	vst v32  }
0x1c7: {  	s20 =	simm.s32 $0xA;
	v57 =	vor.u32 v6, v17;
	s24 =	sor.u32 $0x460, s3;
	v36 =	vld.idx.msk [tilespmem:v56+s13+$0x0], $0xffff;
	[tilespmem:s4+$0x50] =	vst v29  }
0x1c8: {  	v58 =	vor.u32 v6, v16;
	s25 =	sor.u32 $0x460, s5;
	v24 =	vmov s20;
	v31 =	vld.idx.msk [tilespmem:v31+s13+$0x0], $0xffff;
	[dreg:$0x10] =	wrdreg s24  }
0x1c9: {  	p0 =	por !p0, !p0;
	v59 =	vor.u32 v6, v19;
	v24 =	vand.u32 $0x3E, v24;
	[dreg:$0xd] =	wrdreg s25  }
0x1ca: {  	v60 =	vor.u32 v13, v22;
	v24 =	vbroadcast v24, $0x0;
	s8 =	sor.u32 $0x450, s5;
	s24 =	sor.u32 $0x470, s5;
	s5 =	simm.s32 $0x1;
	[tilespmem:s6+$0x50] =	vst v28  }
0x1cb: {  	s23 =	sor.u32 $0x440, s3;
	v30 =	vld.idx.msk [tilespmem:v30+s13+$0x0], $0xffff;
	[tilespmem:s17+$0x50] =	vst v26;
	s5 =	simm.s32 @!p0 $0x0  }
0x1cc: {  	s1 =	sor.u32 $0x470, s1;
	v29 =	vor.u32 v0, v24;
	v28 =	vld.idx.msk [tilespmem:v57+s13+$0x0], $0xffff;
	[tilespmem:s23+$0x12400] =	vst v27;
	s5 =	sshll.u32 s5, $0x9  }
0x1cd: {  	[tilespmem:s1+$0x12400] =	vst v36;
	v26 =	vld.idx.msk [tilespmem:v58+s13+$0x0], $0xffff;
	s5 =	sadd.s32 $0x400, s5  }
0x1ce: {  	v32 =	vld.idx.msk [tilespmem:v59+s13+$0x0], $0xffff;
	[tilespmem:s19+$0x60] =	vst v31;
	s21 =	sor.u32 $0x400, s5  }
0x1cf: {  	v61 =	vor.u32 v7, v20;
	s16 =	sor.u32 $0x450, s0;
	v37 =	vld.idx.msk [tilespmem:v60+s13+$0x0], $0xffff;
	[dreg:$0x12] =	wrdreg s21  }
0x1d0: {  	v62 =	vor.u32 v14, v25;
	s22 =	sor.u32 $0x410, s5;
	[tilespmem:s16+$0x12400] =	vst v33  }
0x1d1: {  	v38 =	vor.u32 v7, v17;
	s26 =	sand.u32 $0x3, s15;
	s23 =	sor.u32 $0x420, s5;
	v27 =	vld.idx.msk [tilespmem:v29+s13+$0x0], $0xffff;
	[dreg:$0x9] =	wrdreg s22  }
0x1d2: {  	s10 =	sshll.u32 s26, $0x8;
	[dreg:$0x5] =	wrdreg s23  }
0x1d3: {  	s30 =	simm.s32 $0xC;
	v63 =	vor.u32 v7, v16;
	s20 =	sor.u32 $0x460, s0;
	s18 =	sadd.s32 $0x400, s10;
	[tilespmem:s8+$0x12400] =	vst v30  }
0x1d4: {  	s9 =	sor.u32 $0x450, s3;
	s10 =	sor.u32 $0x470, s0;
	s0 =	sadd.s32 $0x100, s18;
	v29 =	vor.u32 v7, v19;
	v31 =	vld.idx.msk [tilespmem:v61+s13+$0x0], $0xffff;
	[tilespmem:s4+$0x60] =	vst v28  }
0x1d5: {  	v39 =	vor.u32 v14, v21;
	s3 =	sor.u32 $0x470, s3;
	s26 =	sor.u32 $0x420, s0;
	s25 =	sor.u32 $0x410, s0;
	v33 =	vld.idx.msk [tilespmem:v62+s13+$0x0], $0xffff;
	[tilespmem:s6+$0x60] =	vst v26  }
0x1d6: {  	s31 =	sor.u32 $0x430, s0;
	s29 =	sor.u32 $0x450, s0;
	v28 =	vld.idx.msk [tilespmem:v38+s13+$0x0], $0xffff;
	[dreg:$0xc] =	wrdreg s25  }
0x1d7: {  	s28 =	sor.u32 $0x430, s5;
	s18 =	sor.u32 $0x450, s5;
	s21 =	sor.u32 $0x440, s5;
	[tilespmem:s17+$0x60] =	vst v32  }
0x1d8: {  	s16 =	sor.u32 $0x470, s5;
	s22 =	sor.u32 $0x460, s5;
	v26 =	vld.idx.msk [tilespmem:v63+s13+$0x0], $0xffff;
	[dreg:$0x8] =	wrdreg s26  }
0x1d9: {  	v34 =	vor.u32 v8, v17;
	v35 =	vor.u32 v15, v25;
	v36 =	vor.u32 v14, v22;
	s23 =	sor.u32 $0x440, s0;
	s5 =	simm.s32 $0x8;
	s8 =	sor.u32 $0x400, s0;
	v29 =	vld.idx.msk [tilespmem:v29+s13+$0x0], $0xffff  }
0x1da: {  	s25 =	sor.u32 $0x470, s0;
	v32 =	vor.u32 v8, v16;
	s26 =	sor.u32 $0x460, s0;
	s0 =	simm.s32 $0xB;
	[tilespmem:s9+$0x12400] =	vst v37;
	v37 =	vor.u32 v8, v20;
	v30 =	vld.idx.msk [tilespmem:v39+s13+$0x0], $0xffff  }
.LBB2_5:
0x1db: {  	[smem:$0x7EE] =	sst s23  }
0x1dc: {  	[smem:$0x7EF] =	sst s21  }
0x1dd: {  	[dreg:$0x19] =	wrdreg s18;
	v38 =	vor.u32 v8, v19;
	s18 =	sadd.s32 $0x4, s14;
	[tilespmem:s6+$0x70] =	vst v26  }
0x1de: {  	s1 =	sadd.s32 $0x1, s30;
	s9 =	smov.u32 s30;
	s7 =	sand.u32 $0x7, s18;
	[tilespmem:s19+$0x70] =	vst v31  }
0x1df: {  	v25 =	vmov s0;
	p0 =	por !p0, !p0;
	[dreg:$0x1c] =	wrdreg s9;
	s0 =	sshll.u32 s7, $0x7;
	v31 =	vld.idx.msk [tilespmem:v36+s13+$0x0], $0xffff;
	[tilespmem:s20+$0x12400] =	vst v33  }
0x1e0: {  	v48 =	vor.u32 v15, v21;
	s2 =	sadd.s32 $0x200, s2;
	s7 =	rddreg [dreg:$0x10];
	s0 =	sadd.s32 s11, s0;
	[tilespmem:s17+$0x70] =	vst v29;
	v29 =	vld.idx.msk [tilespmem:v32+s13+$0x0], $0xffff  }
0x1e1: {  	v21 =	vmov v16;
	v25 =	vand.u32 $0x3F, v25;
	s11 =	sadd.s32 $0x400, s11;
	s17 =	rddreg [dreg:$0xd];
	s19 =	smov.u32 s26;
	v47 =	vld.idx.msk [tilespmem:v37+s13+$0x0], $0xffff;
	[tilespmem:s4+$0x70] =	vst v28;
	v28 =	vor.u32 v15, v22  }
0x1e2: {  	v16 =	vmov v24;
	v24 =	vbroadcast v25, $0x0;
	s14 =	sadd.s32 $0x80, s0;
	s0 =	sadd.s32 $0x180, s0;
	v50 =	vld.idx.msk [tilespmem:v38+s13+$0x0], $0xffff;
	[tilespmem:s17+$0x12400] =	vst v30;
	[dreg:$0xd] =	wrdreg s19;
	v30 =	vor.u32 v9, v21  }
0x1e3: {  	v26 =	vor.u32 v9, v20;
	v22 =	vmov v19;
	v19 =	vmov s5;
	s20 =	sor.u32 $0x400, s14;
	s9 =	sor.u32 $0x430, s14;
	s17 =	rddreg [dreg:$0x12];
	v35 =	vld.idx.msk [tilespmem:v35+s13+$0x0], $0xffff  }
0x1e4: {  	v25 =	vmov s1;
	v49 =	vor.u32 v0, v24;
	s1 =	sor.u32 $0x410, s14;
	s23 =	sor.u32 $0x440, s14;
	v34 =	vld.idx.msk [tilespmem:v34+s13+$0x0], $0xffff;
	v19 =	vand.u32 $0x3C, v19;
	[smem:$0x7ED] =	sst s9  }
0x1e5: {  	s21 =	sor.u32 $0x400, s0;
	s26 =	sor.u32 $0x450, s14;
	v52 =	vor.u32 v9, v22;
	[dreg:$0x1e] =	wrdreg s23;
	v19 =	vbroadcast v19, $0x0;
	[tilespmem:s7+$0x12400] =	vst v31;
	v31 =	vld.idx.msk [tilespmem:v48+s13+$0x0], $0xffff  }
0x1e6: {  	v51 =	vor.u32 v9, v17;
	s4 =	sor.u32 $0x470, s14;
	s5 =	simm.s32 $0x1;
	[dreg:$0x16] =	wrdreg s26;
	[tilespmem:s8+$0x12400] =	vst v29;
	v28 =	vld.idx.msk [tilespmem:v28+s13+$0x0], $0xffff  }
0x1e7: {  	v25 =	vand.u32 $0x3D, v25;
	s19 =	sand.u32 $0x3800, s11;
	s9 =	sor.u32 $0x460, s14;
	[dreg:$0x1b] =	wrdreg s4;
	v53 =	vor.u32 v0, v19;
	[tilespmem:s21+$0x12400] =	vst v47;
	v30 =	vld.idx.msk [tilespmem:v30+s13+$0x0], $0xffff  }
0x1e8: {  	v25 =	vbroadcast v25, $0x0;
	s5 =	simm.s32 @!p0 $0x0;
	s6 =	sadd.s32 $0x12400, s19;
	s23 =	sadd.s32 $0xFFFFFF00, s2;
	[tilespmem:s17+$0x12400] =	vst v50;
	v26 =	vld.idx.msk [tilespmem:v26+s13+$0x0], $0xffff  }
0x1e9: {  	s26 =	sadd.s32 $0xFFFFFF80, s2;
	s7 =	sor.u32 $0x420, s14;
	s14 =	sadd.s32 $0x2, s15;
	[tilespmem:s10+$0x12400] =	vst v35;
	v37 =	vld.idx.msk [tilespmem:v49+s13+$0x0], $0xffff  }
0x1ea: {  	v54 =	vor.u32 v0, v25;
	[smem:$0x7EC] =	sst s9;
	s8 =	sand.u32 $0x300, s26;
	s15 =	sand.u32 $0x3, s14;
	v32 =	vld.idx.msk [tilespmem:v52+s13+$0x0], $0xffff;
	[tilespmem:s20+$0x12400] =	vst v34  }
0x1eb: {  	v29 =	vor.u32 v10, v20;
	s21 =	sor.u32 $0x410, s0;
	s10 =	smov.u32 s22;
	s4 =	sshll.u32 s15, $0x8;
	v34 =	vld.idx.msk [tilespmem:v51+s13+$0x0], $0xffff;
	[tilespmem:s24+$0x12400] =	vst v31  }
0x1ec: {  	v55 =	vor.u32 v1, v24;
	s22 =	sadd.s32 $0xFFFFFE80, s2;
	s9 =	sadd.s32 s11, s4;
	s20 =	sand.u32 $0x380, s2;
	v31 =	vld.idx.msk [tilespmem:v53+s13+$0x0], $0xffff;
	[tilespmem:s3+$0x12400] =	vst v28  }
0x1ed: {  	v58 =	vor.u32 v1, v16;
	s19 =	sor.u32 s20, s6;
	s24 =	sand.u32 $0x280, s23;
	s3 =	sand.u32 $0x200, s22;
	[tilespmem:s21+$0x12400] =	vst v26  }
0x1ee: {  	v56 =	vor.u32 v10, v17;
	s4 =	sor.u32 s24, s6;
	s17 =	sor.u32 s3, s6;
	s6 =	sor.u32 s8, s6;
	[tilespmem:s19+$0x0] =	vst v37  }
0x1ef: {  	v57 =	vor.u32 v1, v18;
	s5 =	sshll.u32 s5, $0x9;
	[dreg:$0x10] =	wrdreg s10;
	v28 =	vld.idx.msk [tilespmem:v54+s13+$0x0], $0xffff;
	[tilespmem:s6+$0x0] =	vst v27  }
0x1f0: {  	s10 =	rddreg [dreg:$0xc];
	s24 =	sadd.s32 s5, s11;
	v26 =	vor.u32 v1, v19;
	s3 =	sadd.s32 $0x100, s9;
	v29 =	vld.idx.msk [tilespmem:v29+s13+$0x0], $0xffff;
	[tilespmem:s1+$0x12400] =	vst v34  }
0x1f1: {  	v59 =	vor.u32 v10, v21;
	s9 =	sor.u32 $0x400, s24;
	s20 =	sor.u32 $0x400, s3;
	s8 =	sor.u32 $0x410, s3;
	v37 =	vld.idx.msk [tilespmem:v55+s13+$0x0], $0xffff;
	[tilespmem:s4+$0x0] =	vst v23  }
0x1f2: {  	v61 =	vor.u32 v10, v22;
	s15 =	sor.u32 $0x420, s3;
	s21 =	sor.u32 $0x430, s3;
	s26 =	sor.u32 $0x450, s3;
	[tilespmem:s17+$0x0] =	vst v31;
	v31 =	vld.idx.msk [tilespmem:v58+s13+$0x0], $0xffff  }
0x1f3: {  	v60 =	vor.u32 v11, v20;
	[smem:$0x7F1] =	sst s26;
	s26 =	sor.u32 $0x460, s3;
	s1 =	smov.u32 s28;
	v33 =	vld.idx.msk [tilespmem:v56+s13+$0x0], $0xffff  }
0x1f4: {  	v27 =	vor.u32 v2, v24;
	s28 =	sor.u32 $0x470, s3;
	[tilespmem:s10+$0x12400] =	vst v30;
	s10 =	sor.u32 $0x440, s3;
	s3 =	rddreg [dreg:$0x9];
	v36 =	vld.idx.msk [tilespmem:v57+s13+$0x0], $0xffff  }
0x1f5: {  	[dreg:$0x12] =	wrdreg s9;
	s9 =	sor.u32 $0x420, s0;
	v23 =	vmov v28;
	v28 =	vor.u32 v2, v16;
	v26 =	vld.idx.msk [tilespmem:v26+s13+$0x0], $0xffff;
	[tilespmem:s3+$0x12400] =	vst v32  }
0x1f6: {  	v39 =	vor.u32 v2, v18;
	v30 =	vld.idx.msk [tilespmem:v59+s13+$0x0], $0xffff;
	[tilespmem:s9+$0x12400] =	vst v29  }
0x1f7: {  	[dreg:$0x14] =	wrdreg s29;
	s29 =	smov.u32 s31;
	v35 =	vld.idx.msk [tilespmem:v61+s13+$0x0], $0xffff;
	[tilespmem:s19+$0x10] =	vst v37  }
0x1f8: {  	s23 =	smov.u32 s25;
	s25 =	smov.u32 s16;
	s16 =	sor.u32 $0x410, s24;
	v29 =	vor.u32 v2, v19;
	[tilespmem:s6+$0x10] =	vst v31;
	v62 =	vld.idx.msk [tilespmem:v60+s13+$0x0], $0xffff  }
0x1f9: {  	v63 =	vor.u32 v11, v17;
	s31 =	sor.u32 $0x420, s24;
	s5 =	sor.u32 $0x430, s24;
	s22 =	sor.u32 $0x440, s24;
	v27 =	vld.idx.msk [tilespmem:v27+s13+$0x0], $0xffff;
	[tilespmem:s4+$0x10] =	vst v36  }
0x1fa: {  	[smem:$0x7F0] =	sst s22;
	s22 =	sor.u32 $0x460, s24;
	s3 =	smov.u32 s8;
	[tilespmem:s17+$0x10] =	vst v26;
	v26 =	vld.idx.msk [tilespmem:v28+s13+$0x0], $0xffff;
	v28 =	vor.u32 v11, v21  }
0x1fb: {  	v40 =	vor.u32 v12, v20;
	s8 =	smov.u32 s16;
	s9 =	sor.u32 $0x450, s24;
	s24 =	sor.u32 $0x470, s24;
	v41 =	vld.idx.msk [tilespmem:v39+s13+$0x0], $0xffff  }
0x1fc: {  	s16 =	smov.u32 s24;
	v31 =	vor.u32 v3, v24;
	s24 =	smov.u32 s23;
	s23 =	rddreg [dreg:$0x8];
	[tilespmem:s7+$0x12400] =	vst v33  }
0x1fd: {  	v43 =	vor.u32 v3, v16;
	s7 =	sor.u32 $0x430, s0;
	[tilespmem:s23+$0x12400] =	vst v30;
	v29 =	vld.idx.msk [tilespmem:v29+s13+$0x0], $0xffff  }
0x1fe: {  	v42 =	vor.u32 v3, v18;
	v32 =	vld.idx.msk [tilespmem:v63+s13+$0x0], $0xffff;
	[tilespmem:s7+$0x12400] =	vst v62  }
0x1ff: {  	v44 =	vor.u32 v3, v19;
	[tilespmem:s19+$0x20] =	vst v27;
	v28 =	vld.idx.msk [tilespmem:v28+s13+$0x0], $0xffff  }
0x200: {  	[tilespmem:s4+$0x20] =	vst v41;
	v27 =	vld.idx.msk [tilespmem:v40+s13+$0x0], $0xffff  }
0x201: {  	v45 =	vor.u32 v11, v22;
	[tilespmem:s6+$0x20] =	vst v26;
	v31 =	vld.idx.msk [tilespmem:v31+s13+$0x0], $0xffff  }
0x202: {  	[dreg:$0x9] =	wrdreg s8;
	s8 =	smov.u32 s15;
	v30 =	vor.u32 v13, v20;
	[tilespmem:s17+$0x20] =	vst v29;
	v29 =	vld.idx.msk [tilespmem:v43+s13+$0x0], $0xffff  }
0x203: {  	s15 =	smov.u32 s14;
	s14 =	smov.u32 s18;
	s18 =	rddreg [dreg:$0x5];
	v26 =	vor.u32 v4, v24;
	v37 =	vld.idx.msk [tilespmem:v42+s13+$0x0], $0xffff  }
0x204: {  	v48 =	vor.u32 v4, v16;
	s23 =	sor.u32 $0x440, s0;
	v34 =	vld.idx.msk [tilespmem:v44+s13+$0x0], $0xffff;
	[tilespmem:s18+$0x12400] =	vst v35  }
0x205: {  	v46 =	vor.u32 v12, v17;
	[tilespmem:s23+$0x12400] =	vst v27;
	s23 =	sld [smem:$0x7ED]  }
0x206: {  	v47 =	vor.u32 v4, v18;
	v36 =	vld.idx.msk [tilespmem:v45+s13+$0x0], $0xffff;
	[tilespmem:s19+$0x30] =	vst v31  }
0x207: {  	v27 =	vor.u32 v4, v19;
	[tilespmem:s6+$0x30] =	vst v29;
	v30 =	vld.idx.msk [tilespmem:v30+s13+$0x0], $0xffff  }
0x208: {  	v31 =	vor.u32 v12, v21;
	v26 =	vld.idx.msk [tilespmem:v26+s13+$0x0], $0xffff;
	[tilespmem:s23+$0x12400] =	vst v32  }
0x209: {  	v51 =	vor.u32 v12, v22;
	v50 =	vld.idx.msk [tilespmem:v48+s13+$0x0], $0xffff;
	[tilespmem:s4+$0x30] =	vst v37  }
0x20a: {  	v49 =	vor.u32 v14, v20;
	[tilespmem:s17+$0x30] =	vst v34;
	v32 =	vld.idx.msk [tilespmem:v46+s13+$0x0], $0xffff  }
0x20b: {  	s18 =	smov.u32 s31;
	v29 =	vor.u32 v5, v24;
	[tilespmem:s29+$0x12400] =	vst v28;
	v37 =	vld.idx.msk [tilespmem:v47+s13+$0x0], $0xffff  }
0x20c: {  	[dreg:$0x5] =	wrdreg s18;
	s18 =	sor.u32 $0x450, s0;
	v28 =	vor.u32 v5, v16;
	v27 =	vld.idx.msk [tilespmem:v27+s13+$0x0], $0xffff;
	[tilespmem:s1+$0x12400] =	vst v36  }
0x20d: {  	v31 =	vld.idx.msk [tilespmem:v31+s13+$0x0], $0xffff;
	[tilespmem:s18+$0x12400] =	vst v30  }
0x20e: {  	v52 =	vor.u32 v5, v18;
	v35 =	vld.idx.msk [tilespmem:v51+s13+$0x0], $0xffff;
	[tilespmem:s19+$0x40] =	vst v26  }
0x20f: {  	v30 =	vor.u32 v5, v19;
	v26 =	vld.idx.msk [tilespmem:v49+s13+$0x0], $0xffff  }
0x210: {  	v53 =	vor.u32 v13, v17;
	[tilespmem:s6+$0x40] =	vst v50;
	v29 =	vld.idx.msk [tilespmem:v29+s13+$0x0], $0xffff  }
0x211: {  	s18 =	sld [smem:$0x7EE];
	[tilespmem:s17+$0x40] =	vst v27;
	v27 =	vld.idx.msk [tilespmem:v28+s13+$0x0], $0xffff;
	v28 =	vor.u32 v13, v21  }
0x212: {  	v54 =	vor.u32 v15, v20;
	v20 =	vmov v24;
	s31 =	smov.u32 s21;
	s21 =	sadd.s32 $0x2, s30;
	s23 =	rddreg [dreg:$0x1e];
	[tilespmem:s4+$0x40] =	vst v37  }
0x213: {  	v55 =	vor.u32 v6, v20;
	v24 =	vmov s21;
	v37 =	vld.idx.msk [tilespmem:v52+s13+$0x0], $0xffff;
	[tilespmem:s23+$0x12400] =	vst v32  }
0x214: {  	v56 =	vor.u32 v6, v18;
	v24 =	vand.u32 $0x3E, v24;
	s1 =	sor.u32 $0x460, s0;
	[tilespmem:s18+$0x12400] =	vst v31;
	v30 =	vld.idx.msk [tilespmem:v30+s13+$0x0], $0xffff  }
0x215: {  	v57 =	vor.u32 v6, v16;
	v24 =	vbroadcast v24, $0x0;
	v33 =	vld.idx.msk [tilespmem:v53+s13+$0x0], $0xffff;
	[tilespmem:s1+$0x12400] =	vst v26  }
0x216: {  	v26 =	vor.u32 v6, v19;
	[tilespmem:s19+$0x50] =	vst v29;
	v59 =	vld.idx.msk [tilespmem:v28+s13+$0x0], $0xffff  }
0x217: {  	v31 =	vor.u32 v0, v24;
	[tilespmem:s6+$0x50] =	vst v27;
	v29 =	vld.idx.msk [tilespmem:v54+s13+$0x0], $0xffff  }
0x218: {  	v58 =	vor.u32 v13, v22;
	s21 =	sld [smem:$0x7EF];
	v34 =	vld.idx.msk [tilespmem:v55+s13+$0x0], $0xffff;
	[tilespmem:s4+$0x50] =	vst v37  }
0x219: {  	v60 =	vor.u32 v7, v20;
	s18 =	rddreg [dreg:$0x16];
	v28 =	vld.idx.msk [tilespmem:v56+s13+$0x0], $0xffff;
	[tilespmem:s17+$0x50] =	vst v30  }
0x21a: {  	[dreg:$0xc] =	wrdreg s3;
	s3 =	smov.u32 s25;
	s25 =	smov.u32 s28;
	v61 =	vor.u32 v14, v17;
	v30 =	vld.idx.msk [tilespmem:v57+s13+$0x0], $0xffff;
	[tilespmem:s18+$0x12400] =	vst v33  }
0x21b: {  	s28 =	smov.u32 s5;
	s5 =	rddreg [dreg:$0x1c];
	v62 =	vor.u32 v7, v18;
	s0 =	sor.u32 $0x470, s0;
	v26 =	vld.idx.msk [tilespmem:v26+s13+$0x0], $0xffff;
	[tilespmem:s21+$0x12400] =	vst v35  }
0x21c: {  	[dreg:$0x8] =	wrdreg s8;
	v63 =	vor.u32 v7, v16;
	v27 =	vld.idx.msk [tilespmem:v31+s13+$0x0], $0xffff;
	[tilespmem:s0+$0x12400] =	vst v29  }
0x21d: {  	s7 =	sld [smem:$0x7F0];
	v41 =	vor.u32 v14, v21;
	v40 =	vld.idx.msk [tilespmem:v58+s13+$0x0], $0xffff;
	[tilespmem:s19+$0x60] =	vst v34  }
0x21e: {  	p2 =	slt.u32 s30, $0x3C;
	s8 =	smov.u32 s20;
	s20 =	sld [smem:$0x7EC];
	v29 =	vor.u32 v7, v19;
	[tilespmem:s4+$0x60] =	vst v28;
	v31 =	vld.idx.msk [tilespmem:v60+s13+$0x0], $0xffff  }
.Ltmp1:
0x21f: {  	s1 =	rddreg [dreg:$0x14];
	[tilespmem:s6+$0x60] =	vst v30;
	v33 =	vld.idx.msk [tilespmem:v61+s13+$0x0], $0xffff;
	(pc) =	sbr.rel @p2 .LBB2_5-.Ltmp1, $4  }
0x220: {  	s21 =	smov.u32 s7;
	s7 =	sld [smem:$0x7F1];
	v28 =	vld.idx.msk [tilespmem:v62+s13+$0x0], $0xffff;
	[tilespmem:s17+$0x60] =	vst v26  }
0x221: {  	v36 =	vor.u32 v14, v22;
	s23 =	smov.u32 s10;
	s10 =	rddreg [dreg:$0x1b];
	v26 =	vld.idx.msk [tilespmem:v63+s13+$0x0], $0xffff;
	[tilespmem:s1+$0x12400] =	vst v59  }
0x222: {  	s30 =	sadd.s32 $0x4, s30;
	v32 =	vor.u32 v8, v16;
	s18 =	rddreg [dreg:$0x19];
	v35 =	vor.u32 v15, v17;
	v17 =	vmov v18;
	v30 =	vld.idx.msk [tilespmem:v41+s13+$0x0], $0xffff  }
0x223: {  	v37 =	vor.u32 v8, v20;
	v18 =	vmov v25;
	s0 =	sadd.s32 $0x3, s5;
	v34 =	vor.u32 v8, v17;
	s29 =	smov.u32 s7;
	v29 =	vld.idx.msk [tilespmem:v29+s13+$0x0], $0xffff;
	[tilespmem:s18+$0x12400] =	vst v40;
	s18 =	smov.u32 s9  }
0x224: {  	_ =	sdelay $0x1  }
0x225: {  	[tilespmem:s19+$0x70] =	vst v31  }
0x226: {  	[tilespmem:s20+$0x12400] =	vst v33;
	v46 =	vmov s5;
	s5 =	sadd.s32 $0x4, s14  }
0x227: {  	v25 =	vmov s0;
	[tilespmem:s4+$0x70] =	vst v28;
	v48 =	vld.idx.msk [tilespmem:v37+s13+$0x0], $0xffff;
	s4 =	sand.u32 $0x7, s5  }
0x228: {  	v47 =	vor.u32 v8, v19;
	v25 =	vand.u32 $0x3F, v25;
	v35 =	vld.idx.msk [tilespmem:v35+s13+$0x0], $0xffff;
	[tilespmem:s6+$0x70] =	vst v26;
	s0 =	sshll.u32 s4, $0x7  }
0x229: {  	v36 =	vld.idx.msk [tilespmem:v36+s13+$0x0], $0xffff;
	v31 =	vand.u32 $0x3C, v46;
	v25 =	vbroadcast v25, $0x0;
	s1 =	sadd.s32 s11, s0;
	[tilespmem:s17+$0x70] =	vst v29  }
0x22a: {  	v26 =	vbroadcast v31, $0x0;
	v51 =	vld.idx.msk [tilespmem:v32+s13+$0x0], $0xffff;
	s0 =	sadd.s32 $0x180, s1;
	s6 =	rddreg [dreg:$0xd]  }
0x22b: {  	v50 =	vld.idx.msk [tilespmem:v34+s13+$0x0], $0xffff;
	v49 =	vor.u32 v0, v25;
	s7 =	sor.u32 $0x400, s0;
	[tilespmem:s6+$0x12400] =	vst v30  }
0x22c: {  	v31 =	vor.u32 v0, v26;
	s4 =	rddreg [dreg:$0x10];
	[tilespmem:s7+$0x12400] =	vst v48  }
0x22d: {  	v21 =	vor.u32 v15, v21;
	v52 =	vld.idx.msk [tilespmem:v47+s13+$0x0], $0xffff;
	[tilespmem:s10+$0x12400] =	vst v35  }
0x22e: {  	v59 =	vor.u32 v9, v20;
	[tilespmem:s4+$0x12400] =	vst v36;
	s4 =	sadd.s32 $0x80, s1  }
0x22f: {  	s2 =	sadd.s32 $0x200, s2;
	v55 =	vor.u32 v1, v18;
	s1 =	sadd.s32 $0x400, s11;
	[tilespmem:s8+$0x12400] =	vst v51;
	s9 =	sor.u32 $0x400, s4  }
0x230: {  	v57 =	vor.u32 v1, v24;
	s17 =	sadd.s32 $0xFFFFFF80, s2;
	s7 =	sadd.s32 $0xFFFFFF00, s2;
	v53 =	vld.idx.msk [tilespmem:v49+s13+$0x0], $0xffff;
	s10 =	sand.u32 $0x3800, s1;
	[tilespmem:s9+$0x12400] =	vst v50  }
0x231: {  	v54 =	vor.u32 v1, v25;
	s7 =	sand.u32 $0x280, s7;
	v56 =	vld.idx.msk [tilespmem:v31+s13+$0x0], $0xffff;
	s11 =	sadd.s32 $0x12400, s10;
	s9 =	rddreg [dreg:$0x12]  }
0x232: {  	v58 =	vor.u32 v1, v26;
	s19 =	sand.u32 $0x300, s17;
	v21 =	vld.idx.msk [tilespmem:v21+s13+$0x0], $0xffff;
	[tilespmem:s9+$0x12400] =	vst v52;
	s9 =	sor.u32 s7, s11  }
0x233: {  	v22 =	vor.u32 v15, v22;
	s14 =	sand.u32 $0x380, s2;
	s2 =	sadd.s32 $0xFFFFFE80, s2;
	v38 =	vld.idx.msk [tilespmem:v59+s13+$0x0], $0xffff;
	s7 =	sor.u32 s19, s11;
	[tilespmem:s9+$0x0] =	vst v23  }
0x234: {  	v60 =	vor.u32 v9, v17;
	s2 =	sand.u32 $0x200, s2;
	s6 =	sor.u32 s14, s11;
	[tilespmem:s7+$0x0] =	vst v27;
	v23 =	vld.idx.msk [tilespmem:v55+s13+$0x0], $0xffff  }
0x235: {  	v63 =	vor.u32 v2, v18;
	s2 =	sor.u32 s2, s11;
	[tilespmem:s6+$0x0] =	vst v53;
	v62 =	vld.idx.msk [tilespmem:v57+s13+$0x0], $0xffff  }
0x236: {  	v37 =	vor.u32 v2, v24;
	[tilespmem:s2+$0x0] =	vst v56;
	v33 =	vld.idx.msk [tilespmem:v54+s13+$0x0], $0xffff  }
0x237: {  	v61 =	vor.u32 v2, v25;
	s20 =	sor.u32 $0x410, s0;
	[tilespmem:s24+$0x12400] =	vst v21;
	v36 =	vld.idx.msk [tilespmem:v58+s13+$0x0], $0xffff  }
0x238: {  	v39 =	vor.u32 v2, v26;
	v22 =	vld.idx.msk [tilespmem:v22+s13+$0x0], $0xffff;
	[tilespmem:s20+$0x12400] =	vst v38  }
0x239: {  	v41 =	vor.u32 v10, v20;
	v28 =	vld.idx.msk [tilespmem:v60+s13+$0x0], $0xffff;
	[tilespmem:s9+$0x10] =	vst v23  }
0x23a: {  	v40 =	vor.u32 v9, v16;
	[tilespmem:s7+$0x10] =	vst v62;
	v23 =	vld.idx.msk [tilespmem:v63+s13+$0x0], $0xffff  }
0x23b: {  	v44 =	vor.u32 v3, v18;
	[tilespmem:s6+$0x10] =	vst v33;
	v43 =	vld.idx.msk [tilespmem:v37+s13+$0x0], $0xffff  }
0x23c: {  	v45 =	vor.u32 v3, v24;
	[tilespmem:s2+$0x10] =	vst v36;
	v27 =	vld.idx.msk [tilespmem:v61+s13+$0x0], $0xffff  }
0x23d: {  	v42 =	vor.u32 v3, v25;
	s24 =	sor.u32 $0x410, s4;
	[tilespmem:s3+$0x12400] =	vst v22;
	v22 =	vld.idx.msk [tilespmem:v39+s13+$0x0], $0xffff  }
0x23e: {  	v47 =	vor.u32 v3, v26;
	[tilespmem:s24+$0x12400] =	vst v28;
	v33 =	vld.idx.msk [tilespmem:v41+s13+$0x0], $0xffff  }
0x23f: {  	v46 =	vld.idx.msk [tilespmem:v40+s13+$0x0], $0xffff;
	v49 =	vor.u32 v10, v17;
	[tilespmem:s9+$0x20] =	vst v23  }
0x240: {  	v57 =	vor.u32 v11, v20;
	[tilespmem:s7+$0x20] =	vst v43;
	v23 =	vld.idx.msk [tilespmem:v44+s13+$0x0], $0xffff  }
0x241: {  	v48 =	vor.u32 v9, v19;
	[tilespmem:s6+$0x20] =	vst v27;
	v51 =	vld.idx.msk [tilespmem:v45+s13+$0x0], $0xffff  }
0x242: {  	s30 =	sor.u32 $0x420, s0;
	v52 =	vor.u32 v4, v18;
	[tilespmem:s2+$0x20] =	vst v22;
	v29 =	vld.idx.msk [tilespmem:v42+s13+$0x0], $0xffff  }
0x243: {  	v54 =	vor.u32 v4, v24;
	s3 =	rddreg [dreg:$0xc];
	v53 =	vld.idx.msk [tilespmem:v47+s13+$0x0], $0xffff;
	[tilespmem:s30+$0x12400] =	vst v33  }
0x244: {  	v50 =	vor.u32 v4, v25;
	v27 =	vld.idx.msk [tilespmem:v49+s13+$0x0], $0xffff;
	[tilespmem:s3+$0x12400] =	vst v46  }
0x245: {  	v56 =	vor.u32 v4, v26;
	v36 =	vld.idx.msk [tilespmem:v57+s13+$0x0], $0xffff;
	[tilespmem:s9+$0x30] =	vst v23  }
0x246: {  	v55 =	vld.idx.msk [tilespmem:v48+s13+$0x0], $0xffff;
	[tilespmem:s7+$0x30] =	vst v51  }
0x247: {  	v58 =	vor.u32 v10, v16;
	[tilespmem:s6+$0x30] =	vst v29;
	v23 =	vld.idx.msk [tilespmem:v52+s13+$0x0], $0xffff  }
0x248: {  	s8 =	sor.u32 $0x420, s4;
	v61 =	vor.u32 v5, v18;
	[tilespmem:s2+$0x30] =	vst v53;
	v60 =	vld.idx.msk [tilespmem:v54+s13+$0x0], $0xffff  }
0x249: {  	s10 =	sor.u32 $0x430, s0;
	v63 =	vor.u32 v5, v24;
	v21 =	vld.idx.msk [tilespmem:v50+s13+$0x0], $0xffff;
	s3 =	rddreg [dreg:$0x9];
	[tilespmem:s8+$0x12400] =	vst v27  }
0x24a: {  	v59 =	vor.u32 v5, v25;
	v62 =	vld.idx.msk [tilespmem:v56+s13+$0x0], $0xffff;
	[tilespmem:s10+$0x12400] =	vst v36  }
0x24b: {  	v37 =	vor.u32 v5, v26;
	[tilespmem:s3+$0x12400] =	vst v55  }
0x24c: {  	v39 =	vor.u32 v12, v20;
	v29 =	vld.idx.msk [tilespmem:v58+s13+$0x0], $0xffff;
	[tilespmem:s9+$0x40] =	vst v23  }
0x24d: {  	v46 =	vor.u32 v11, v17;
	[tilespmem:s7+$0x40] =	vst v60;
	v23 =	vld.idx.msk [tilespmem:v61+s13+$0x0], $0xffff  }
0x24e: {  	v42 =	vor.u32 v6, v18;
	[tilespmem:s6+$0x40] =	vst v21;
	v41 =	vld.idx.msk [tilespmem:v63+s13+$0x0], $0xffff  }
0x24f: {  	v43 =	vor.u32 v6, v24;
	[tilespmem:s2+$0x40] =	vst v62;
	v22 =	vld.idx.msk [tilespmem:v59+s13+$0x0], $0xffff  }
0x250: {  	v40 =	vor.u32 v6, v25;
	v27 =	vld.idx.msk [tilespmem:v37+s13+$0x0], $0xffff;
	s3 =	rddreg [dreg:$0x8]  }
0x251: {  	v45 =	vor.u32 v6, v26;
	v21 =	vld.idx.msk [tilespmem:v39+s13+$0x0], $0xffff;
	[tilespmem:s3+$0x12400] =	vst v29  }
0x252: {  	v38 =	vor.u32 v10, v19;
	v53 =	vld.idx.msk [tilespmem:v46+s13+$0x0], $0xffff;
	[tilespmem:s9+$0x50] =	vst v23  }
0x253: {  	v47 =	vor.u32 v11, v16;
	[tilespmem:s7+$0x50] =	vst v41;
	v23 =	vld.idx.msk [tilespmem:v42+s13+$0x0], $0xffff  }
0x254: {  	v50 =	vor.u32 v7, v18;
	[tilespmem:s6+$0x50] =	vst v22;
	v49 =	vld.idx.msk [tilespmem:v43+s13+$0x0], $0xffff  }
0x255: {  	s11 =	sor.u32 $0x440, s0;
	v52 =	vor.u32 v7, v24;
	[tilespmem:s2+$0x50] =	vst v27;
	v28 =	vld.idx.msk [tilespmem:v40+s13+$0x0], $0xffff  }
0x256: {  	s14 =	sor.u32 $0x430, s4;
	v48 =	vor.u32 v7, v25;
	s3 =	rddreg [dreg:$0x5];
	v51 =	vld.idx.msk [tilespmem:v45+s13+$0x0], $0xffff;
	[tilespmem:s11+$0x12400] =	vst v21  }
0x257: {  	v54 =	vor.u32 v7, v26;
	v44 =	vld.idx.msk [tilespmem:v38+s13+$0x0], $0xffff;
	[tilespmem:s14+$0x12400] =	vst v53  }
0x258: {  	v55 =	vor.u32 v13, v20;
	v22 =	vld.idx.msk [tilespmem:v47+s13+$0x0], $0xffff;
	[tilespmem:s9+$0x60] =	vst v23  }
0x259: {  	v56 =	vor.u32 v11, v19;
	[tilespmem:s7+$0x60] =	vst v49;
	v23 =	vld.idx.msk [tilespmem:v50+s13+$0x0], $0xffff  }
0x25a: {  	v59 =	vor.u32 v8, v18;
	[tilespmem:s6+$0x60] =	vst v28;
	v58 =	vld.idx.msk [tilespmem:v52+s13+$0x0], $0xffff  }
0x25b: {  	v60 =	vor.u32 v8, v24;
	[tilespmem:s2+$0x60] =	vst v51;
	v30 =	vld.idx.msk [tilespmem:v48+s13+$0x0], $0xffff  }
0x25c: {  	v57 =	vor.u32 v8, v25;
	[tilespmem:s3+$0x12400] =	vst v44;
	v21 =	vld.idx.msk [tilespmem:v54+s13+$0x0], $0xffff  }
0x25d: {  	v62 =	vor.u32 v8, v26;
	v61 =	vld.idx.msk [tilespmem:v55+s13+$0x0], $0xffff;
	[tilespmem:s31+$0x12400] =	vst v22  }
0x25e: {  	s17 =	sadd.s32 $0x4, s5;
	s19 =	sadd.s32 $0x2, s15;
	v43 =	vor.u32 v12, v16;
	v28 =	vld.idx.msk [tilespmem:v56+s13+$0x0], $0xffff;
	[tilespmem:s9+$0x70] =	vst v23  }
0x25f: {  	s5 =	sand.u32 $0x3, s19;
	v36 =	vor.u32 v14, v20;
	s3 =	sand.u32 $0x7, s17;
	[tilespmem:s7+$0x70] =	vst v58;
	v31 =	vld.idx.msk [tilespmem:v59+s13+$0x0], $0xffff  }
0x260: {  	p0 =	por !p0, !p0;
	s5 =	sshll.u32 s5, $0x8;
	v39 =	vor.u32 v9, v18;
	s3 =	sshll.u32 s3, $0x7;
	[tilespmem:s6+$0x70] =	vst v30;
	v38 =	vld.idx.msk [tilespmem:v60+s13+$0x0], $0xffff  }
0x261: {  	s20 =	sor.u32 $0x450, s0;
	s5 =	sadd.s32 s1, s5;
	v41 =	vor.u32 v9, v24;
	s3 =	sadd.s32 s1, s3;
	[tilespmem:s2+$0x70] =	vst v21;
	v27 =	vld.idx.msk [tilespmem:v57+s13+$0x0], $0xffff  }
0x262: {  	v37 =	vor.u32 v9, v25;
	[tilespmem:s20+$0x12400] =	vst v61;
	s6 =	simm.s32 $0x1;
	s2 =	sadd.s32 $0x180, s3;
	s3 =	sadd.s32 $0x80, s3;
	v40 =	vld.idx.msk [tilespmem:v62+s13+$0x0], $0xffff  }
0x263: {  	s5 =	sadd.s32 $0x100, s5;
	v42 =	vor.u32 v9, v26;
	v50 =	vld.idx.msk [tilespmem:v43+s13+$0x0], $0xffff;
	[tilespmem:s28+$0x12400] =	vst v28;
	s6 =	simm.s32 @!p0 $0x0;
	s28 =	sor.u32 $0x400, s3  }
0x264: {  	s30 =	sor.u32 $0x400, s5;
	v63 =	vor.u32 v12, v17;
	v23 =	vld.idx.msk [tilespmem:v36+s13+$0x0], $0xffff;
	s6 =	sshll.u32 s6, $0x9;
	[tilespmem:s28+$0x12400] =	vst v31  }
0x265: {  	v52 =	vor.u32 v15, v20;
	s24 =	sor.u32 $0x400, s2;
	s1 =	sadd.s32 s6, s1;
	[tilespmem:s30+$0x12400] =	vst v38;
	v45 =	vld.idx.msk [tilespmem:v39+s13+$0x0], $0xffff  }
0x266: {  	v48 =	vor.u32 v10, v18;
	s31 =	sor.u32 $0x400, s1;
	[tilespmem:s24+$0x12400] =	vst v27;
	v47 =	vld.idx.msk [tilespmem:v41+s13+$0x0], $0xffff  }
0x267: {  	v49 =	vor.u32 v10, v24;
	[tilespmem:s31+$0x12400] =	vst v40;
	v29 =	vld.idx.msk [tilespmem:v37+s13+$0x0], $0xffff  }
0x268: {  	s8 =	sor.u32 $0x460, s0;
	v46 =	vor.u32 v10, v25;
	[tilespmem:s23+$0x12400] =	vst v50;
	v28 =	vld.idx.msk [tilespmem:v42+s13+$0x0], $0xffff  }
0x269: {  	v51 =	vor.u32 v10, v26;
	v30 =	vld.idx.msk [tilespmem:v63+s13+$0x0], $0xffff;
	s10 =	sor.u32 $0x410, s3;
	[tilespmem:s8+$0x12400] =	vst v23  }
0x26a: {  	s11 =	sor.u32 $0x410, s5;
	v44 =	vor.u32 v12, v19;
	v20 =	vld.idx.msk [tilespmem:v52+s13+$0x0], $0xffff;
	[tilespmem:s10+$0x12400] =	vst v45  }
0x26b: {  	v60 =	vor.u32 v13, v16;
	s9 =	sor.u32 $0x410, s2;
	[tilespmem:s11+$0x12400] =	vst v47;
	v54 =	vld.idx.msk [tilespmem:v48+s13+$0x0], $0xffff  }
0x26c: {  	v57 =	vor.u32 v11, v18;
	s14 =	sor.u32 $0x410, s1;
	[tilespmem:s9+$0x12400] =	vst v29;
	v56 =	vld.idx.msk [tilespmem:v49+s13+$0x0], $0xffff  }
0x26d: {  	s7 =	sor.u32 $0x440, s4;
	v58 =	vor.u32 v11, v24;
	[tilespmem:s14+$0x12400] =	vst v28;
	v29 =	vld.idx.msk [tilespmem:v46+s13+$0x0], $0xffff  }
0x26e: {  	s0 =	sor.u32 $0x470, s0;
	v55 =	vor.u32 v11, v25;
	[tilespmem:s7+$0x12400] =	vst v30;
	v23 =	vld.idx.msk [tilespmem:v51+s13+$0x0], $0xffff  }
0x26f: {  	v59 =	vor.u32 v11, v26;
	s17 =	sor.u32 $0x420, s3;
	v27 =	vld.idx.msk [tilespmem:v44+s13+$0x0], $0xffff;
	[tilespmem:s0+$0x12400] =	vst v20  }
0x270: {  	s19 =	sor.u32 $0x420, s5;
	v53 =	vor.u32 v13, v17;
	v39 =	vld.idx.msk [tilespmem:v60+s13+$0x0], $0xffff;
	[tilespmem:s17+$0x12400] =	vst v54  }
0x271: {  	v61 =	vor.u32 v13, v19;
	s15 =	sor.u32 $0x420, s2;
	[tilespmem:s19+$0x12400] =	vst v56;
	v30 =	vld.idx.msk [tilespmem:v57+s13+$0x0], $0xffff  }
0x272: {  	v36 =	vor.u32 v12, v18;
	s20 =	sor.u32 $0x420, s1;
	[tilespmem:s15+$0x12400] =	vst v29;
	v63 =	vld.idx.msk [tilespmem:v58+s13+$0x0], $0xffff  }
0x273: {  	v38 =	vor.u32 v12, v24;
	[tilespmem:s20+$0x12400] =	vst v23;
	v29 =	vld.idx.msk [tilespmem:v55+s13+$0x0], $0xffff  }
0x274: {  	v62 =	vor.u32 v12, v25;
	[tilespmem:s21+$0x12400] =	vst v27;
	v37 =	vld.idx.msk [tilespmem:v59+s13+$0x0], $0xffff  }
0x275: {  	v21 =	vld.idx.msk [tilespmem:v53+s13+$0x0], $0xffff;
	v40 =	vor.u32 v12, v26;
	s24 =	sor.u32 $0x430, s3;
	[tilespmem:s29+$0x12400] =	vst v39  }
0x276: {  	s28 =	sor.u32 $0x430, s5;
	v41 =	vor.u32 v14, v17;
	v22 =	vld.idx.msk [tilespmem:v61+s13+$0x0], $0xffff;
	[tilespmem:s24+$0x12400] =	vst v30  }
0x277: {  	s23 =	sor.u32 $0x430, s2;
	v49 =	vor.u32 v14, v19;
	[tilespmem:s28+$0x12400] =	vst v63;
	v30 =	vld.idx.msk [tilespmem:v36+s13+$0x0], $0xffff  }
0x278: {  	s30 =	sor.u32 $0x430, s1;
	v45 =	vor.u32 v13, v18;
	[tilespmem:s23+$0x12400] =	vst v29;
	v44 =	vld.idx.msk [tilespmem:v38+s13+$0x0], $0xffff  }
0x279: {  	s21 =	sor.u32 $0x450, s4;
	v46 =	vor.u32 v13, v24;
	[tilespmem:s30+$0x12400] =	vst v37;
	v28 =	vld.idx.msk [tilespmem:v62+s13+$0x0], $0xffff  }
0x27a: {  	v43 =	vor.u32 v13, v25;
	[tilespmem:s21+$0x12400] =	vst v21;
	v21 =	vld.idx.msk [tilespmem:v40+s13+$0x0], $0xffff  }
0x27b: {  	s6 =	sor.u32 $0x440, s3;
	v48 =	vor.u32 v13, v26;
	v47 =	vld.idx.msk [tilespmem:v41+s13+$0x0], $0xffff;
	[tilespmem:s18+$0x12400] =	vst v22  }
0x27c: {  	s7 =	sor.u32 $0x440, s5;
	v42 =	vor.u32 v14, v16;
	v54 =	vld.idx.msk [tilespmem:v49+s13+$0x0], $0xffff;
	[tilespmem:s6+$0x12400] =	vst v30  }
0x27d: {  	s31 =	sor.u32 $0x440, s2;
	v17 =	vor.u32 v15, v17;
	[tilespmem:s7+$0x12400] =	vst v44;
	v27 =	vld.idx.msk [tilespmem:v45+s13+$0x0], $0xffff  }
0x27e: {  	s8 =	sor.u32 $0x440, s1;
	v52 =	vor.u32 v14, v18;
	[tilespmem:s31+$0x12400] =	vst v28;
	v51 =	vld.idx.msk [tilespmem:v46+s13+$0x0], $0xffff  }
0x27f: {  	v53 =	vor.u32 v14, v24;
	s9 =	sor.u32 $0x460, s4;
	[tilespmem:s8+$0x12400] =	vst v21;
	v23 =	vld.idx.msk [tilespmem:v43+s13+$0x0], $0xffff  }
0x280: {  	v50 =	vor.u32 v14, v25;
	[tilespmem:s9+$0x12400] =	vst v47;
	v22 =	vld.idx.msk [tilespmem:v48+s13+$0x0], $0xffff  }
0x281: {  	s11 =	sor.u32 $0x450, s3;
	v55 =	vor.u32 v14, v26;
	[tilespmem:s22+$0x12400] =	vst v54;
	v29 =	vld.idx.msk [tilespmem:v42+s13+$0x0], $0xffff  }
0x282: {  	v16 =	vor.u32 v15, v16;
	s14 =	sor.u32 $0x450, s5;
	v17 =	vld.idx.msk [tilespmem:v17+s13+$0x0], $0xffff;
	[tilespmem:s11+$0x12400] =	vst v27  }
0x283: {  	s10 =	sor.u32 $0x450, s2;
	v56 =	vor.u32 v15, v19;
	[tilespmem:s14+$0x12400] =	vst v51;
	v58 =	vld.idx.msk [tilespmem:v52+s13+$0x0], $0xffff  }
0x284: {  	s15 =	sor.u32 $0x450, s1;
	v59 =	vor.u32 v15, v18;
	[tilespmem:s10+$0x12400] =	vst v23;
	v60 =	vld.idx.msk [tilespmem:v53+s13+$0x0], $0xffff  }
0x285: {  	v62 =	vor.u32 v15, v24;
	[tilespmem:s15+$0x12400] =	vst v22;
	v20 =	vld.idx.msk [tilespmem:v50+s13+$0x0], $0xffff  }
0x286: {  	s17 =	sor.u32 $0x470, s4;
	v57 =	vor.u32 v15, v25;
	[tilespmem:s26+$0x12400] =	vst v29;
	v61 =	vld.idx.msk [tilespmem:v55+s13+$0x0], $0xffff  }
0x287: {  	s19 =	sor.u32 $0x460, s3;
	[tilespmem:s17+$0x12400] =	vst v17;
	v17 =	vor.u32 v15, v26;
	v16 =	vld.idx.msk [tilespmem:v16+s13+$0x0], $0xffff  }
0x288: {  	s20 =	sor.u32 $0x460, s5;
	v19 =	vld.idx.msk [tilespmem:v56+s13+$0x0], $0xffff;
	[tilespmem:s19+$0x12400] =	vst v58  }
0x289: {  	s18 =	sor.u32 $0x460, s2;
	[tilespmem:s20+$0x12400] =	vst v60;
	v18 =	vld.idx.msk [tilespmem:v59+s13+$0x0], $0xffff  }
0x28a: {  	s21 =	sor.u32 $0x460, s1;
	[tilespmem:s18+$0x12400] =	vst v20;
	v63 =	vld.idx.msk [tilespmem:v62+s13+$0x0], $0xffff  }
0x28b: {  	[tilespmem:s21+$0x12400] =	vst v61;
	v20 =	vld.idx.msk [tilespmem:v57+s13+$0x0], $0xffff  }
0x28c: {  	[tilespmem:s25+$0x12400] =	vst v16;
	v16 =	vld.idx.msk [tilespmem:v17+s13+$0x0], $0xffff  }
0x28d: {  	s23 =	sor.u32 $0x470, s3;
	[tilespmem:s16+$0x12400] =	vst v19  }
0x28e: {  	s24 =	sor.u32 $0x470, s5;
	[tilespmem:s23+$0x12400] =	vst v18  }
0x28f: {  	s22 =	sor.u32 $0x470, s2;
	[tilespmem:s24+$0x12400] =	vst v63  }
0x290: {  	s1 =	sor.u32 $0x470, s1;
	[tilespmem:s22+$0x12400] =	vst v20  }
0x291: {  	[tilespmem:s1+$0x12400] =	vst v16  }
0x292: {  	s0 =	sld [smem:$0x7F2]  }
0x293: {  	s3 =	sld [smem:$0x7F9]  }
0x294: {  	s31 =	sld [smem:$0x7F7]  }
0x295: {  	s2 =	simm.s32 @!p1 $0xA400;
	s1 =	simm.s32 @!p1 $0x100;
	s0 =	sadd.s32 @!p1 $0x300, s0  }
0x296: {  	[tilespmem:s2], [sflag:$0x3] =	stream.indirect.gather @!p1 [hbm4b:s3+s1], $0x40, s0, s1, $0xb8;
	[tilespmem:$0x16400] =	vst v63  }
0x297: {  	s2 =	sadd.s32 $0x1, s31  }
0x298: {  	s25 =	sld [smem:$0x7FC];
	p0 =	sne.s32 s2, $0x32  }
.Ltmp2:
0x299: {  	s26 =	sld [smem:$0x7F3];
	(pc) =	sbr.rel @p0 .LBB2_2-.Ltmp2, $4  }
0x29a: {  	_ = 	snop  }
0x29b: {  	s29 =	simm.s32 $0x20000  }
0x29c: {  	s28 =	simm.s32 $0x800;
	s30 =	simm.s32 $0x12400;
	s0 =	sadd.s32 s26, s25  }
0x29d: {  	[hbm4b:s0+s28] =	stream.strided.scatter [tilespmem:s30], [sflag:$0x5], $0x4000, s29, s28, $0x38;
	[tilespmem:$0x16400] =	vst v63  }
0x29e: {  	s0 =	simm.s32 $0x4  }
0x29f: {  	_ =	swait.ge [sflag:s0], $0x4000  }
0x2a0: {  	[sflag:s0] =	ssyncset.done $0x0  }
0x2a1: {  	s1 =	simm.s32 $0x5;
	[sflag:s0] =	ssyncadd.s32 $0xFFFFC000  }
0x2a2: {  	_ =	swait.ge [sflag:s1], $0x4000  }
0x2a3: {  	s2 =	sld [smem:$0x7F8]  }
0x2a4: {  	s31 =	sld [smem:$0x7FD];
	_ =	sdelay $0x1  }
0x2a5: {  	s2 =	sadd.s32 $0x1, s2  }
0x2a6: {  	p0 =	sne.s32 s2, s31  }
.Ltmp3:
0x2a7: {  	_ = 	snop;
	(pc) =	sbr.rel @p0 .LBB2_1-.Ltmp3, $3  }
0x2a8: {  	_ =	sdelay $0x1  }
0x2a9: {  	[sflag:s1] =	ssyncset.done $0x0  }
0x2aa: {  	[sflag:s1] =	ssyncadd.s32 $0xFFFFC000  }
0x2ab: {  	_ =	sfence.sel $0x180000  }
0x2ac: {  	[bflag:$0x0] =	sbarrier.arrive $0xFFFF  }
0x2ad: {  	_ =	strace $0x90000047  }
0x2ae: {  	s0 =	stileid.u32;
	[bflag:$0x2] =	sbarrier.arrive $0xFFFF  }
0x2af: {  	p0 =	sne.s32 s0, $0x0;
	s0 =	rddreg [dreg:$0x2]  }
0x2b0: {  	s0 =	sadd.s32 @!p0 $0x100000, s0  }
0x2b1: {  	[sflag:s0] =	ssyncadd.tile.s32 @!p0 $0x1;
	_ =	shalt  }
.Lfunc_end2:
_tile_overlayer_lowered:
.L_overlay_start_2:
0x2b2: {  	(tag) =	ssettag $0x2  }
0x2b3: {  	s0 =	rddreg [dreg:$0x0];
	s2 =	stileid.u32  }
0x2b4: {  	s1 =	rddreg [dreg:$0x1];
	p0 =	sne.s32 s2, $0x0  }
0x2b5: {  	s3 =	rddreg [dreg:$0x2];
	[bflag:$0x3] =	sbarrier.arrive $0xFFFF;
	s2 =	simm.s32 @!p0 $0x1C06  }
0x2b6: {  	[timem:s3], [sflag:s2] =	dma.local @!p0 [hbm:s0], s1  }
0x2b7: {  	s0 =	simm.s32 @!p0 $0x6  }
0x2b8: {  	_ =	swait.ge @!p0 [sflag:s0], s1  }
0x2b9: {  	s1 =	ssub.s32 @!p0 $0x0, s1;
	[sflag:s0] =	ssyncset.done @!p0 $0x0  }
0x2ba: {  	[sflag:s0] =	ssyncadd.s32 @!p0 s1  }
0x2bb: {  	[bflag:$0x3] =	sbarrier.arrive $0xFFFF  }
0x2bc: {  	_ =	shalt  }

</sc_bundles>
